<compile_context>
chip_gen: v7x
topology: tpu7x:2x2x1
jax: 0.10.2.dev20260603
libtpu: 0.0.44.dev20260713+nightly
codegen_flags: <defaults>
</compile_context>

<pallas_src>
import functools

import jax
import jax.numpy as jnp
from jax import lax
from jax.experimental import pallas as pl
from jax.experimental.pallas import tpu as pltpu
from jax.experimental.pallas import tpu_sc as plsc

RATE_COST = 0.5
PRE_DELAY = 50
POST_DELAY = 50
KAPPA = 0.002
N_TYPES = 16
TYPE_SIZE = 3125
N_NEURONS = N_TYPES * TYPE_SIZE
N_TIME = 600
T_WINDOW = N_TIME - PRE_DELAY - POST_DELAY

T_BLK = 16
T_START_BLK = 3
N_TIME_STEPS = 32

SC_LANES = 16
B_BUCKETS = 512
WIN = 3136
WBUF = WIN + SC_LANES
NV_HIST = B_BUCKETS // SC_LANES
W_LAST = N_NEURONS - WIN

HALF = 1600
NV_HALF = HALF // SC_LANES
WINH = 1616
WH_LAST = N_NEURONS - WINH
WBUFH = 1728


TGT_LEN = N_NEURONS + 48


def _rates_body(spk_ref, tgt_ref, out_ref, tgt_out_ref, acc_ref):
    t = pl.program_id(0)

    @pl.when(t == 0)
    def _():
        acc_ref[0:2, :] = jnp.zeros((2, N_NEURONS), jnp.float32)
        acc_ref[2:, :] = spk_ref[0, 2:, :] + spk_ref[1, 2:, :]
        for r in range(N_TYPES):
            tgt_out_ref[pl.ds(r * TYPE_SIZE, TYPE_SIZE)] = tgt_ref[r, :]

    @pl.when((t > 0) & (t < N_TIME_STEPS - 1))
    def _():
        acc_ref[...] = acc_ref[...] + (spk_ref[0] + spk_ref[1])

    @pl.when(t == N_TIME_STEPS - 1)
    def _():
        acc_ref[0:6, :] = acc_ref[0:6, :] + (spk_ref[0, :6, :] + spk_ref[1, :6, :])
        out_ref[...] = jnp.sum(acc_ref[...], axis=0) * (1.0 / (2.0 * T_WINDOW))


def _compute_rates(spikes, target_rates):
    return pl.pallas_call(
        _rates_body,
        grid=(N_TIME_STEPS,),
        in_specs=[pl.BlockSpec((2, T_BLK, N_NEURONS),
                               lambda t: (0, t + T_START_BLK, 0)),
                  pl.BlockSpec((N_TYPES, TYPE_SIZE), lambda t: (0, 0))],
        out_specs=[pl.BlockSpec((N_NEURONS,), lambda t: (0,)),
                   pl.BlockSpec((TGT_LEN,), lambda t: (0,))],
        out_shape=[jax.ShapeDtypeStruct((N_NEURONS,), jnp.float32),
                   jax.ShapeDtypeStruct((TGT_LEN,), jnp.float32)],
        scratch_shapes=[pltpu.VMEM((T_BLK, N_NEURONS), jnp.float32)],
    )(spikes, target_rates)


def _loss_body(rates_hbm, tgt_hbm, out_hbm, x_v, t_v, b_v, hist_v, sib_v,
               cum_v, o_v, mm_v, sh_mm, sh_hist, sem_x, sem_t):
    c = lax.axis_index("c")
    s = lax.axis_index("s")
    row = c * 8 + (s >> 1)
    half = s & 1
    sib = s ^ 1
    start = row * TYPE_SIZE + half * HALF
    w = pl.multiple_of(jnp.minimum((start >> 3) << 3, WH_LAST), 8)
    d = start - w
    tstart = row * TYPE_SIZE
    tw = pl.multiple_of(jnp.minimum((tstart >> 3) << 3, W_LAST), 8)
    td = tstart - tw
    cp_x = pltpu.make_async_copy(rates_hbm.at[pl.ds(w, WINH)],
                                 x_v.at[pl.ds(0, WINH)], sem_x)
    cp_t = pltpu.make_async_copy(tgt_hbm.at[pl.ds(tw, WIN)],
                                 t_v.at[pl.ds(0, WIN)], sem_t)
    cp_x.start()
    cp_t.start()
    cp_x.wait()
    lanes = lax.iota(jnp.int32, SC_LANES)
    col0 = half * HALF

    def mm_body(i, carry):
        lo_c, hi_c = carry
        x = x_v[pl.ds(d + i * SC_LANES, SC_LANES)]
        valid = (col0 + i * SC_LANES + lanes) < TYPE_SIZE
        lo_c = jnp.minimum(lo_c, jnp.where(valid, x, 2.0))
        hi_c = jnp.maximum(hi_c, jnp.where(valid, x, 0.0))
        return lo_c, hi_c

    lo_v, hi_v = lax.fori_loop(
        0, NV_HALF, mm_body,
        (jnp.full((SC_LANES,), 2.0, jnp.float32),
         jnp.zeros((SC_LANES,), jnp.float32)))
    my_lo = jnp.broadcast_to(jnp.min(lo_v), (SC_LANES,))
    my_hi = jnp.broadcast_to(jnp.max(hi_v), (SC_LANES,))
    mm_v[pl.ds(0, SC_LANES)] = my_lo
    mm_v[pl.ds(SC_LANES, SC_LANES)] = my_hi

    pltpu.sync_copy(mm_v, sh_mm.at[s])
    zero16 = jnp.zeros((SC_LANES,), jnp.int32)

    def z_body(i, _):
        hist_v[pl.ds(i * SC_LANES, SC_LANES)] = zero16
        return 0

    lax.fori_loop(0, NV_HIST, z_body, 0)
    plsc.subcore_barrier()
    pltpu.sync_copy(sh_mm.at[sib], mm_v)
    lo = jnp.minimum(my_lo, mm_v[pl.ds(0, SC_LANES)])
    hi = jnp.maximum(my_hi, mm_v[pl.ds(SC_LANES, SC_LANES)])
    scale = B_BUCKETS / jnp.maximum(hi - lo, 1e-20)

    one16 = jnp.ones((SC_LANES,), jnp.int32)

    def h_body(i, _):
        x = x_v[pl.ds(d + i * SC_LANES, SC_LANES)]
        b = jnp.clip(((x - lo) * scale).astype(jnp.int32), 0, B_BUCKETS - 1)
        b_v[pl.ds(i * SC_LANES, SC_LANES)] = b
        valid = (col0 + i * SC_LANES + lanes) < TYPE_SIZE
        plsc.addupdate_scatter(hist_v, [b], one16, mask=valid)
        return 0

    lax.fori_loop(0, NV_HALF, h_body, 0)

    pltpu.sync_copy(hist_v, sh_hist.at[s])
    plsc.subcore_barrier()
    pltpu.sync_copy(sh_hist.at[sib], sib_v)

    def s_body(i, carry):
        v = hist_v[pl.ds(i * SC_LANES, SC_LANES)] + sib_v[pl.ds(i * SC_LANES, SC_LANES)]
        hist_v[pl.ds(i * SC_LANES, SC_LANES)] = v
        incl = plsc.cumsum(v) + carry
        cum_v[pl.ds(i * SC_LANES, SC_LANES)] = incl
        return carry + jnp.sum(v)

    lax.fori_loop(0, NV_HIST, s_body, jnp.int32(0))
    cp_t.wait()

    def l_body(i, acc):
        x = x_v[pl.ds(d + i * SC_LANES, SC_LANES)]
        b = b_v[pl.ds(i * SC_LANES, SC_LANES)]
        occ = plsc.load_gather(hist_v, [b])
        incl = plsc.load_gather(cum_v, [b])
        base = incl - occ
        occ_m1 = occ - 1
        rank_f = base.astype(jnp.float32) + occ_m1.astype(jnp.float32) * 0.5
        tau = (rank_f + 1.0) * (1.0 / TYPE_SIZE)
        ridx = jnp.clip(base + (occ_m1 >> 1), 0, TYPE_SIZE - 1)
        tt = plsc.load_gather(t_v, [ridx + td])
        u = x - tt
        abs_u = jnp.abs(u)
        ind = jnp.where(u <= 0.0, 1.0, 0.0)
        num = jnp.abs(tau - ind)
        small = num * (1.0 / (2.0 * KAPPA)) * u * u
        big = num * (abs_u - 0.5 * KAPPA)
        loss = jnp.where(abs_u <= KAPPA, small, big)
        valid = (col0 + i * SC_LANES + lanes) < TYPE_SIZE
        return acc + jnp.where(valid, loss, 0.0)

    acc = lax.fori_loop(0, NV_HALF, l_body,
                        jnp.zeros((SC_LANES,), jnp.float32))
    o_v[...] = acc
    pltpu.sync_copy(o_v, out_hbm.at[c * 16 + s])


def _compute_loss_partials(rates_flat, tgt_flat):
    mesh = plsc.VectorSubcoreMesh(core_axis_name="c", subcore_axis_name="s")
    f = functools.partial(
        pl.kernel,
        mesh=mesh,
        out_type=jax.ShapeDtypeStruct((2 * N_TYPES, SC_LANES), jnp.float32),
        scratch_types=[
            pltpu.VMEM((WBUFH,), jnp.float32),
            pltpu.VMEM((WBUF,), jnp.float32),
            pltpu.VMEM((NV_HALF * SC_LANES,), jnp.int32),
            pltpu.VMEM((B_BUCKETS,), jnp.int32),
            pltpu.VMEM((B_BUCKETS,), jnp.int32),
            pltpu.VMEM((B_BUCKETS,), jnp.int32),
            pltpu.VMEM((SC_LANES,), jnp.float32),
            pltpu.VMEM((2 * SC_LANES,), jnp.float32),
            pltpu.VMEM_SHARED((16, 2 * SC_LANES), jnp.float32),
            pltpu.VMEM_SHARED((16, B_BUCKETS), jnp.int32),
            pltpu.SemaphoreType.DMA,
            pltpu.SemaphoreType.DMA,
        ],
        compiler_params=pltpu.CompilerParams(needs_layout_passes=False),
    )(_loss_body)
    return f(rates_flat, tgt_flat)


def kernel(_spikes, target_rates, neuron_ids):
    del neuron_ids
    rates_flat, tgt_flat = _compute_rates(_spikes, target_rates)
    partials = _compute_loss_partials(rates_flat, tgt_flat)
    return jnp.sum(partials) * (RATE_COST / N_NEURONS)

# --- scband reference (transcript-rebuilt; emitter-appended) ---
"""Pipeline reference for scband-spike-rate-distribution-target-58677843198222 (READ-ONLY COPY).

The authoritative reference and input builder live on the scoring server;
editing this copy changes nothing except your own understanding.
"""

import jax, jax.numpy as jnp
import numpy as np

RATE_COST = 0.5
PRE_DELAY = 50
POST_DELAY = 50
KAPPA = 0.002
N_TYPES = 16
TYPE_SIZE = 3125
N_NEURONS = N_TYPES * TYPE_SIZE


def setup_inputs(seed: int = 0) -> dict:
    key = jax.random.key(seed)
    k1, k2 = jax.random.split(key, 2)
    _spikes = jax.random.uniform(k1, (2, 600, N_NEURONS), dtype=jnp.float32)
    # per-type sorted target firing rates (Hz/1000 scale, like neuropixels rates/1000)
    target_rates = jnp.sort(jax.random.uniform(k2, (N_TYPES, TYPE_SIZE), dtype=jnp.float32) * 0.05, axis=1)
    # neuron ids partitioning the population into 16 contiguous cell types
    neuron_ids = jnp.arange(N_NEURONS, dtype=jnp.int64).reshape(N_TYPES, TYPE_SIZE)
    return {"_spikes": _spikes, "target_rates": target_rates, "neuron_ids": neuron_ids}


def huber_quantile_loss(u, tau, kappa):
    abs_u = jnp.abs(u)
    num = jnp.abs(tau - (u <= 0).astype(jnp.float32))
    return jnp.where(abs_u <= kappa, num / (2 * kappa) * jnp.square(u), num * (abs_u - 0.5 * kappa))


def reference(_spikes, target_rates, neuron_ids):
    # spike trimming (pre/post delay)
    spikes = _spikes[:, PRE_DELAY:-POST_DELAY, :]
    # mean firing rate per neuron over (batch, time)
    rates = jnp.mean(spikes, axis=(0, 1))
    # per-type gather; note: tf.random.shuffle followed by tf.sort == plain sort
    gathered = jnp.take(rates, neuron_ids, axis=0)  # [N_TYPES, TYPE_SIZE]
    sorted_rates = jnp.sort(gathered, axis=1)
    n = target_rates.shape[1]
    tau = (jnp.arange(n, dtype=jnp.float32) + 1.0) / n
    u = sorted_rates - target_rates
    loss = huber_quantile_loss(u, tau[None, :], KAPPA)
    total_loss = jnp.sum(loss) / jnp.asarray(N_NEURONS, jnp.float32)
    return total_loss * RATE_COST

if __name__ == "__main__":
    import jax
    _d = setup_inputs()
    print(jax.jit(kernel)(*tuple(_d.values())))

</pallas_src>

<mosaic_0001>
#map = affine_map<(d0, d1) -> (0)>
#map1 = affine_map<(d0, d1) -> (0, 0)>
module attributes {stable_mosaic.version = 14 : i64} {
  func.func @_loss_body(%arg0: i32, %arg1: i32, %arg2: memref<50000xf32, #tpu.memory_space<hbm>>, %arg3: memref<50048xf32, #tpu.memory_space<hbm>>, %arg4: memref<32x16xf32, #tpu.memory_space<hbm>>, %arg5: memref<1728xf32, #tpu.memory_space<vmem>>, %arg6: memref<3152xf32, #tpu.memory_space<vmem>>, %arg7: memref<1600xi32, #tpu.memory_space<vmem>>, %arg8: memref<512xi32, #tpu.memory_space<vmem>>, %arg9: memref<512xi32, #tpu.memory_space<vmem>>, %arg10: memref<512xi32, #tpu.memory_space<vmem>>, %arg11: memref<16xf32, #tpu.memory_space<vmem>>, %arg12: memref<32xf32, #tpu.memory_space<vmem>>, %arg13: memref<16x32xf32, #tpu.memory_space<vmem_shared>>, %arg14: memref<16x512xi32, #tpu.memory_space<vmem_shared>>, %arg15: memref<!tpu.dma_semaphore, #tpu.memory_space<semaphore_mem>>, %arg16: memref<!tpu.dma_semaphore, #tpu.memory_space<semaphore_mem>>) attributes {dimension_semantics = [#tpu.dimension_semantics<core_parallel>, #tpu.dimension_semantics<subcore_parallel>], iteration_bounds = array<i64: 2, 16>, scalar_prefetch = 0 : i64, scratch_operands = 12 : i64, tpu.core_type = #tpu.core_type<sc_vector_subcore>, window_params = [{transform_indices = #map}, {transform_indices = #map}, {transform_indices = #map1}]} {
    %mul3A = arith.constant 8 : i32
    %mul3A_0 = arith.muli %arg0, %mul3A : i32
    %shift_right_arithmetic3A = arith.constant 1 : i32
    %shift_right_arithmetic3A_1 = arith.shrsi %arg1, %shift_right_arithmetic3A : i32
    %add3A = arith.addi %mul3A_0, %shift_right_arithmetic3A_1 : i32
    %and3A = arith.constant 1 : i32
    %and3A_2 = arith.andi %arg1, %and3A : i32
    %xor3A = arith.constant 1 : i32
    %xor3A_3 = arith.xori %arg1, %xor3A : i32
    %mul3A_4 = arith.constant 3125 : i32
    %mul3A_5 = arith.muli %add3A, %mul3A_4 : i32
    %mul3A_6 = arith.constant 1600 : i32
    %mul3A_7 = arith.muli %and3A_2, %mul3A_6 : i32
    %add3A_8 = arith.addi %mul3A_5, %mul3A_7 : i32
    %shift_right_arithmetic3A_9 = arith.constant 3 : i32
    %shift_right_arithmetic3A_10 = arith.shrsi %add3A_8, %shift_right_arithmetic3A_9 : i32
    %shift_left3A = arith.constant 3 : i32
    %shift_left3A_11 = arith.shli %shift_right_arithmetic3A_10, %shift_left3A : i32
    %min3A = arith.constant 48384 : i32
    %min3A_12 = arith.minsi %shift_left3A_11, %min3A : i32
    %multiple_of3A = tpu.assume_multiple %min3A_12, 8 : i32
    %sub3A = arith.subi %add3A_8, %multiple_of3A : i32
    %mul3A_13 = arith.constant 3125 : i32
    %mul3A_14 = arith.muli %add3A, %mul3A_13 : i32
    %shift_right_arithmetic3A_15 = arith.constant 3 : i32
    %shift_right_arithmetic3A_16 = arith.shrsi %mul3A_14, %shift_right_arithmetic3A_15 : i32
    %shift_left3A_17 = arith.constant 3 : i32
    %shift_left3A_18 = arith.shli %shift_right_arithmetic3A_16, %shift_left3A_17 : i32
    %min3A_19 = arith.constant 46864 : i32
    %min3A_20 = arith.minsi %shift_left3A_18, %min3A_19 : i32
    %multiple_of3A_21 = tpu.assume_multiple %min3A_20, 8 : i32
    %sub3A_22 = arith.subi %mul3A_14, %multiple_of3A_21 : i32
    %dma_start3A = arith.constant 0 : i32
    %dma_start3A_23 = tpu.memref_slice %arg5[%dma_start3A] : memref<1728xf32, #tpu.memory_space<vmem>> -> memref<1616xf32, #tpu.memory_space<vmem>>
    %dma_start3A_24 = tpu.memref_slice %arg2[%multiple_of3A] : memref<50000xf32, #tpu.memory_space<hbm>> -> memref<1616xf32, #tpu.memory_space<hbm>>
    %dma_start3A_25 = arith.constant 0 : i32
    %dma_start3A_26 = tpu.memref_slice %arg5[%dma_start3A_25] : memref<1728xf32, #tpu.memory_space<vmem>> -> memref<1616xf32, #tpu.memory_space<vmem>>
    %dma_start3A_27 = tpu.memref_slice %arg2[%multiple_of3A] : memref<50000xf32, #tpu.memory_space<hbm>> -> memref<1616xf32, #tpu.memory_space<hbm>>
    tpu.enqueue_dma source(%dma_start3A_27 : memref<1616xf32, #tpu.memory_space<hbm>>) target(%dma_start3A_26 : memref<1616xf32, #tpu.memory_space<vmem>>) target_semaphore(%arg15 : memref<!tpu.dma_semaphore, #tpu.memory_space<semaphore_mem>>)
    %dma_start3A_28 = arith.constant 0 : i32
    %dma_start3A_29 = tpu.memref_slice %arg6[%dma_start3A_28] : memref<3152xf32, #tpu.memory_space<vmem>> -> memref<3136xf32, #tpu.memory_space<vmem>>
    %dma_start3A_30 = tpu.memref_slice %arg3[%multiple_of3A_21] : memref<50048xf32, #tpu.memory_space<hbm>> -> memref<3136xf32, #tpu.memory_space<hbm>>
    %dma_start3A_31 = arith.constant 0 : i32
    %dma_start3A_32 = tpu.memref_slice %arg6[%dma_start3A_31] : memref<3152xf32, #tpu.memory_space<vmem>> -> memref<3136xf32, #tpu.memory_space<vmem>>
    %dma_start3A_33 = tpu.memref_slice %arg3[%multiple_of3A_21] : memref<50048xf32, #tpu.memory_space<hbm>> -> memref<3136xf32, #tpu.memory_space<hbm>>
    tpu.enqueue_dma source(%dma_start3A_33 : memref<3136xf32, #tpu.memory_space<hbm>>) target(%dma_start3A_32 : memref<3136xf32, #tpu.memory_space<vmem>>) target_semaphore(%arg16 : memref<!tpu.dma_semaphore, #tpu.memory_space<semaphore_mem>>)
    %dma_wait3A = arith.constant 0 : i32
    %dma_wait3A_34 = tpu.memref_slice %arg5[%dma_wait3A] : memref<1728xf32, #tpu.memory_space<vmem>> -> memref<1616xf32, #tpu.memory_space<vmem>>
    %dma_wait3A_35 = tpu.memref_slice %arg2[%multiple_of3A] : memref<50000xf32, #tpu.memory_space<hbm>> -> memref<1616xf32, #tpu.memory_space<hbm>>
    %dma_wait3A_36 = arith.constant 0 : i32
    %dma_wait3A_37 = tpu.memref_slice %arg5[%dma_wait3A_36] : memref<1728xf32, #tpu.memory_space<vmem>> -> memref<1616xf32, #tpu.memory_space<vmem>>
    %dma_wait3A_38 = tpu.memref_slice %arg2[%multiple_of3A] : memref<50000xf32, #tpu.memory_space<hbm>> -> memref<1616xf32, #tpu.memory_space<hbm>>
    tpu.wait_dma2 semaphore(%arg15 : memref<!tpu.dma_semaphore, #tpu.memory_space<semaphore_mem>>) src(%dma_wait3A_38 : memref<1616xf32, #tpu.memory_space<hbm>>) dst(%dma_wait3A_37 : memref<1616xf32, #tpu.memory_space<vmem>>)
    %iota3A = tpu.iota {dimensions = array<i32: 0>} : vector<16xi32>
    %mul3A_39 = arith.constant 1600 : i32
    %mul3A_40 = arith.muli %and3A_2, %mul3A_39 : i32
    %broadcast_in_dim3A = arith.constant 2.000000e+00 : f32
    %broadcast_in_dim3A_41 = vector.broadcast %broadcast_in_dim3A : f32 to vector<16xf32>
    %broadcast_in_dim3A_42 = arith.constant 0.000000e+00 : f32
    %broadcast_in_dim3A_43 = vector.broadcast %broadcast_in_dim3A_42 : f32 to vector<16xf32>
    %scan3A = arith.constant 0 : i32
    %scan3A_44 = arith.constant 100 : i32
    %scan3A_45 = arith.addi %scan3A, %scan3A_44 : i32
    %scan3A_46 = arith.constant 1 : i32
    %scan3A_47:2 = scf.for %scan3A_115 = %scan3A to %scan3A_45 step %scan3A_46 iter_args(%scan3A_116 = %broadcast_in_dim3A_41, %scan3A_117 = %broadcast_in_dim3A_43) -> (vector<16xf32>, vector<16xf32>)  : i32 {
      %mul3A_118 = arith.constant 16 : i32
      %mul3A_119 = arith.muli %scan3A_115, %mul3A_118 : i32
      %add3A_120 = arith.addi %sub3A, %mul3A_119 : i32
      %get3A_121 = arith.index_cast %add3A_120 : i32 to index
      %get3A_122 = tpu.vector_load %arg5[%get3A_121] {strides = array<i32>} : memref<1728xf32, #tpu.memory_space<vmem>>, vector<16xf32>,
      %mul3A_123 = arith.constant 16 : i32
      %mul3A_124 = arith.muli %scan3A_115, %mul3A_123 : i32
      %add3A_125 = arith.addi %mul3A_40, %mul3A_124 : i32
      %add3A_126 = vector.broadcast %add3A_125 : i32 to vector<16xi32>
      %add3A_127 = arith.addi %add3A_126, %iota3A : vector<16xi32>
      %lt3A = arith.constant 3125 : i32
      %lt3A_128 = vector.broadcast %lt3A : i32 to vector<16xi32>
      %lt3A_129 = arith.cmpi slt, %add3A_127, %lt3A_128 : vector<16xi32>
      %jit3A = arith.constant 2.000000e+00 : f32
      %broadcast_in_dim3A_130 = vector.broadcast %jit3A : f32 to vector<16xf32>
      %select_n3A = arith.select %lt3A_129, %get3A_122, %broadcast_in_dim3A_130 : vector<16xi1>, vector<16xf32>
      %min3A_131 = arith.minimumf %scan3A_116, %select_n3A : vector<16xf32>
      %jit3A_132 = arith.constant 0.000000e+00 : f32
      %broadcast_in_dim3A_133 = vector.broadcast %jit3A_132 : f32 to vector<16xf32>
      %select_n3A_134 = arith.select %lt3A_129, %get3A_122, %broadcast_in_dim3A_133 : vector<16xi1>, vector<16xf32>
      %max3A_135 = arith.maximumf %scan3A_117, %select_n3A_134 : vector<16xf32>
      scf.yield %min3A_131, %max3A_135 : vector<16xf32>, vector<16xf32>
    }
    %scan3A_48 = arith.constant 100 : i32
    %reduce_min3A = arith.constant true
    %reduce_min3A_49 = vector.broadcast %reduce_min3A : i1 to vector<16xi1>
    %reduce_min3A_50 = tpu.scan <min>, %scan3A_47#0 masked %reduce_min3A_49 : vector<16xf32>, vector<16xi1> -> vector<16xf32>
    %reduce_min3A_51 = vector.extract %reduce_min3A_50[15] : f32 from vector<16xf32>
    %broadcast_in_dim3A_52 = vector.broadcast %reduce_min3A_51 : f32 to vector<16xf32>
    %reduce_max3A = arith.constant true
    %reduce_max3A_53 = vector.broadcast %reduce_max3A : i1 to vector<16xi1>
    %reduce_max3A_54 = tpu.scan <max>, %scan3A_47#1 masked %reduce_max3A_53 : vector<16xf32>, vector<16xi1> -> vector<16xf32>
    %reduce_max3A_55 = vector.extract %reduce_max3A_54[15] : f32 from vector<16xf32>
    %broadcast_in_dim3A_56 = vector.broadcast %reduce_max3A_55 : f32 to vector<16xf32>
    %swap3A = arith.constant 0 : index
    %swap3A_57 = tpu.vector_load %arg12[%swap3A] {strides = array<i32>} : memref<32xf32, #tpu.memory_space<vmem>>, vector<16xf32>,
    tpu.vector_store %arg12[%swap3A], %broadcast_in_dim3A_52 {strides = array<i32>} : memref<32xf32, #tpu.memory_space<vmem>>, vector<16xf32>,
    %swap3A_58 = arith.constant 16 : index
    %swap3A_59 = tpu.vector_load %arg12[%swap3A_58] {strides = array<i32>} : memref<32xf32, #tpu.memory_space<vmem>>, vector<16xf32>,
    tpu.vector_store %arg12[%swap3A_58], %broadcast_in_dim3A_56 {strides = array<i32>} : memref<32xf32, #tpu.memory_space<vmem>>, vector<16xf32>,
    "tpu.region"() ({
      %run_scoped3A = tpu.sem_alloc : memref<!tpu.dma_semaphore, #tpu.memory_space<semaphore_mem>>
      %dma_start3A_115 = arith.constant 0 : i32
      %dma_start3A_116 = tpu.memref_slice %arg13[%arg1, %dma_start3A_115] : memref<16x32xf32, #tpu.memory_space<vmem_shared>> -> memref<1x32xf32, #tpu.memory_space<vmem_shared>>
      %dma_start3A_117 = tpu.memref_squeeze %dma_start3A_116 : memref<1x32xf32, #tpu.memory_space<vmem_shared>> -> memref<32xf32, #tpu.memory_space<vmem_shared>>
      %dma_start3A_118 = arith.constant 0 : i32
      %dma_start3A_119 = tpu.memref_slice %arg13[%arg1, %dma_start3A_118] : memref<16x32xf32, #tpu.memory_space<vmem_shared>> -> memref<1x32xf32, #tpu.memory_space<vmem_shared>>
      %dma_start3A_120 = tpu.memref_squeeze %dma_start3A_119 : memref<1x32xf32, #tpu.memory_space<vmem_shared>> -> memref<32xf32, #tpu.memory_space<vmem_shared>>
      tpu.enqueue_dma source(%arg12 : memref<32xf32, #tpu.memory_space<vmem>>) target(%dma_start3A_120 : memref<32xf32, #tpu.memory_space<vmem_shared>>) target_semaphore(%run_scoped3A : memref<!tpu.dma_semaphore, #tpu.memory_space<semaphore_mem>>)
      %dma_wait3A_121 = arith.constant 0 : i32
      %dma_wait3A_122 = tpu.memref_slice %arg13[%arg1, %dma_wait3A_121] : memref<16x32xf32, #tpu.memory_space<vmem_shared>> -> memref<1x32xf32, #tpu.memory_space<vmem_shared>>
      %dma_wait3A_123 = tpu.memref_squeeze %dma_wait3A_122 : memref<1x32xf32, #tpu.memory_space<vmem_shared>> -> memref<32xf32, #tpu.memory_space<vmem_shared>>
      %dma_wait3A_124 = arith.constant 0 : i32
      %dma_wait3A_125 = tpu.memref_slice %arg13[%arg1, %dma_wait3A_124] : memref<16x32xf32, #tpu.memory_space<vmem_shared>> -> memref<1x32xf32, #tpu.memory_space<vmem_shared>>
      %dma_wait3A_126 = tpu.memref_squeeze %dma_wait3A_125 : memref<1x32xf32, #tpu.memory_space<vmem_shared>> -> memref<32xf32, #tpu.memory_space<vmem_shared>>
      tpu.wait_dma2 semaphore(%run_scoped3A : memref<!tpu.dma_semaphore, #tpu.memory_space<semaphore_mem>>) src(%arg12 : memref<32xf32, #tpu.memory_space<vmem>>) dst(%dma_wait3A_126 : memref<32xf32, #tpu.memory_space<vmem_shared>>)
      tpu.yield
    }) : () -> ()
    %broadcast_in_dim3A_60 = arith.constant 0 : i32
    %broadcast_in_dim3A_61 = vector.broadcast %broadcast_in_dim3A_60 : i32 to vector<16xi32>
    %scan3A_62 = arith.constant 0 : i32
    %scan3A_63 = arith.constant 0 : i32
    %scan3A_64 = arith.constant 32 : i32
    %scan3A_65 = arith.addi %scan3A_63, %scan3A_64 : i32
    %scan3A_66 = arith.constant 1 : i32
    %scan3A_67 = scf.for %scan3A_115 = %scan3A_63 to %scan3A_65 step %scan3A_66 iter_args(%scan3A_116 = %scan3A_62) -> (i32)  : i32 {
      %mul3A_117 = arith.constant 16 : i32
      %mul3A_118 = arith.muli %scan3A_115, %mul3A_117 : i32
      %swap3A_119 = arith.index_cast %mul3A_118 : i32 to index
      %swap3A_120 = tpu.vector_load %arg8[%swap3A_119] {strides = array<i32>} : memref<512xi32, #tpu.memory_space<vmem>>, vector<16xi32>,
      tpu.vector_store %arg8[%swap3A_119], %broadcast_in_dim3A_61 {strides = array<i32>} : memref<512xi32, #tpu.memory_space<vmem>>, vector<16xi32>,
      %scan3A_121 = arith.constant 0 : i32
      scf.yield %scan3A_121 : i32
    }
    %scan3A_68 = arith.constant 32 : i32
    %barrier3A = arith.constant 0 : index
    tpu.barrier barrier_id(%barrier3A)
    "tpu.region"() ({
      %run_scoped3A = tpu.sem_alloc : memref<!tpu.dma_semaphore, #tpu.memory_space<semaphore_mem>>
      %dma_start3A_115 = arith.constant 0 : i32
      %dma_start3A_116 = tpu.memref_slice %arg13[%xor3A_3, %dma_start3A_115] : memref<16x32xf32, #tpu.memory_space<vmem_shared>> -> memref<1x32xf32, #tpu.memory_space<vmem_shared>>
      %dma_start3A_117 = tpu.memref_squeeze %dma_start3A_116 : memref<1x32xf32, #tpu.memory_space<vmem_shared>> -> memref<32xf32, #tpu.memory_space<vmem_shared>>
      %dma_start3A_118 = arith.constant 0 : i32
      %dma_start3A_119 = tpu.memref_slice %arg13[%xor3A_3, %dma_start3A_118] : memref<16x32xf32, #tpu.memory_space<vmem_shared>> -> memref<1x32xf32, #tpu.memory_space<vmem_shared>>
      %dma_start3A_120 = tpu.memref_squeeze %dma_start3A_119 : memref<1x32xf32, #tpu.memory_space<vmem_shared>> -> memref<32xf32, #tpu.memory_space<vmem_shared>>
      tpu.enqueue_dma source(%dma_start3A_120 : memref<32xf32, #tpu.memory_space<vmem_shared>>) target(%arg12 : memref<32xf32, #tpu.memory_space<vmem>>) target_semaphore(%run_scoped3A : memref<!tpu.dma_semaphore, #tpu.memory_space<semaphore_mem>>)
      %dma_wait3A_121 = arith.constant 0 : i32
      %dma_wait3A_122 = tpu.memref_slice %arg13[%xor3A_3, %dma_wait3A_121] : memref<16x32xf32, #tpu.memory_space<vmem_shared>> -> memref<1x32xf32, #tpu.memory_space<vmem_shared>>
      %dma_wait3A_123 = tpu.memref_squeeze %dma_wait3A_122 : memref<1x32xf32, #tpu.memory_space<vmem_shared>> -> memref<32xf32, #tpu.memory_space<vmem_shared>>
      %dma_wait3A_124 = arith.constant 0 : i32
      %dma_wait3A_125 = tpu.memref_slice %arg13[%xor3A_3, %dma_wait3A_124] : memref<16x32xf32, #tpu.memory_space<vmem_shared>> -> memref<1x32xf32, #tpu.memory_space<vmem_shared>>
      %dma_wait3A_126 = tpu.memref_squeeze %dma_wait3A_125 : memref<1x32xf32, #tpu.memory_space<vmem_shared>> -> memref<32xf32, #tpu.memory_space<vmem_shared>>
      tpu.wait_dma2 semaphore(%run_scoped3A : memref<!tpu.dma_semaphore, #tpu.memory_space<semaphore_mem>>) src(%dma_wait3A_126 : memref<32xf32, #tpu.memory_space<vmem_shared>>) dst(%arg12 : memref<32xf32, #tpu.memory_space<vmem>>)
      tpu.yield
    }) : () -> ()
    %get3A = arith.constant 0 : index
    %get3A_69 = tpu.vector_load %arg12[%get3A] {strides = array<i32>} : memref<32xf32, #tpu.memory_space<vmem>>, vector<16xf32>,
    %min3A_70 = arith.minimumf %broadcast_in_dim3A_52, %get3A_69 : vector<16xf32>
    %get3A_71 = arith.constant 16 : index
    %get3A_72 = tpu.vector_load %arg12[%get3A_71] {strides = array<i32>} : memref<32xf32, #tpu.memory_space<vmem>>, vector<16xf32>,
    %max3A = arith.maximumf %broadcast_in_dim3A_56, %get3A_72 : vector<16xf32>
    %sub3A_73 = arith.subf %max3A, %min3A_70 : vector<16xf32>
    %max3A_74 = arith.constant 9.99999968E-21 : f32
    %max3A_75 = vector.broadcast %max3A_74 : f32 to vector<16xf32>
    %max3A_76 = arith.maximumf %sub3A_73, %max3A_75 : vector<16xf32>
    %div3A = arith.constant 5.120000e+02 : f32
    %div3A_77 = vector.broadcast %div3A : f32 to vector<16xf32>
    %div3A_78 = arith.divf %div3A_77, %max3A_76 : vector<16xf32>
    %broadcast_in_dim3A_79 = arith.constant 1 : i32
    %broadcast_in_dim3A_80 = vector.broadcast %broadcast_in_dim3A_79 : i32 to vector<16xi32>
    %scan3A_81 = arith.constant 0 : i32
    %scan3A_82 = arith.constant 0 : i32
    %scan3A_83 = arith.constant 100 : i32
    %scan3A_84 = arith.addi %scan3A_82, %scan3A_83 : i32
    %scan3A_85 = arith.constant 1 : i32
    %scan3A_86 = scf.for %scan3A_115 = %scan3A_82 to %scan3A_84 step %scan3A_85 iter_args(%scan3A_116 = %scan3A_81) -> (i32)  : i32 {
      %mul3A_117 = arith.constant 16 : i32
      %mul3A_118 = arith.muli %scan3A_115, %mul3A_117 : i32
      %add3A_119 = arith.addi %sub3A, %mul3A_118 : i32
      %get3A_120 = arith.index_cast %add3A_119 : i32 to index
      %get3A_121 = tpu.vector_load %arg5[%get3A_120] {strides = array<i32>} : memref<1728xf32, #tpu.memory_space<vmem>>, vector<16xf32>,
      %sub3A_122 = arith.subf %get3A_121, %min3A_70 : vector<16xf32>
      %mul3A_123 = arith.mulf %sub3A_122, %div3A_78 : vector<16xf32>
      %convert_element_type3A = arith.fptosi %mul3A_123 : vector<16xf32> to vector<16xi32>
      %jit3A = arith.constant 0 : i32
      %jit3A_124 = arith.constant 511 : i32
      %max3A_125 = vector.broadcast %jit3A : i32 to vector<16xi32>
      %max3A_126 = arith.maxsi %max3A_125, %convert_element_type3A : vector<16xi32>
      %min3A_127 = vector.broadcast %jit3A_124 : i32 to vector<16xi32>
      %min3A_128 = arith.minsi %min3A_127, %max3A_126 : vector<16xi32>
      %mul3A_129 = arith.constant 16 : i32
      %mul3A_130 = arith.muli %scan3A_115, %mul3A_129 : i32
      %swap3A_131 = arith.index_cast %mul3A_130 : i32 to index
      %swap3A_132 = tpu.vector_load %arg7[%swap3A_131] {strides = array<i32>} : memref<1600xi32, #tpu.memory_space<vmem>>, vector<16xi32>,
      tpu.vector_store %arg7[%swap3A_131], %min3A_128 {strides = array<i32>} : memref<1600xi32, #tpu.memory_space<vmem>>, vector<16xi32>,
      %mul3A_133 = arith.constant 16 : i32
      %mul3A_134 = arith.muli %scan3A_115, %mul3A_133 : i32
      %add3A_135 = arith.addi %mul3A_40, %mul3A_134 : i32
      %add3A_136 = vector.broadcast %add3A_135 : i32 to vector<16xi32>
      %add3A_137 = arith.addi %add3A_136, %iota3A : vector<16xi32>
      %lt3A = arith.constant 3125 : i32
      %lt3A_138 = vector.broadcast %lt3A : i32 to vector<16xi32>
      %lt3A_139 = arith.cmpi slt, %add3A_137, %lt3A_138 : vector<16xi32>
      tpu.vector_store_idx %arg8[%min3A_128], %broadcast_in_dim3A_80 masked %lt3A_139 {add = true} : memref<512xi32, #tpu.memory_space<vmem>>[vector<16xi32>], vector<16xi32>, vector<16xi1>
      %scan3A_140 = arith.constant 0 : i32
      scf.yield %scan3A_140 : i32
    }
    %scan3A_87 = arith.constant 100 : i32
    "tpu.region"() ({
      %run_scoped3A = tpu.sem_alloc : memref<!tpu.dma_semaphore, #tpu.memory_space<semaphore_mem>>
      %dma_start3A_115 = arith.constant 0 : i32
      %dma_start3A_116 = tpu.memref_slice %arg14[%arg1, %dma_start3A_115] : memref<16x512xi32, #tpu.memory_space<vmem_shared>> -> memref<1x512xi32, #tpu.memory_space<vmem_shared>>
      %dma_start3A_117 = tpu.memref_squeeze %dma_start3A_116 : memref<1x512xi32, #tpu.memory_space<vmem_shared>> -> memref<512xi32, #tpu.memory_space<vmem_shared>>
      %dma_start3A_118 = arith.constant 0 : i32
      %dma_start3A_119 = tpu.memref_slice %arg14[%arg1, %dma_start3A_118] : memref<16x512xi32, #tpu.memory_space<vmem_shared>> -> memref<1x512xi32, #tpu.memory_space<vmem_shared>>
      %dma_start3A_120 = tpu.memref_squeeze %dma_start3A_119 : memref<1x512xi32, #tpu.memory_space<vmem_shared>> -> memref<512xi32, #tpu.memory_space<vmem_shared>>
      tpu.enqueue_dma source(%arg8 : memref<512xi32, #tpu.memory_space<vmem>>) target(%dma_start3A_120 : memref<512xi32, #tpu.memory_space<vmem_shared>>) target_semaphore(%run_scoped3A : memref<!tpu.dma_semaphore, #tpu.memory_space<semaphore_mem>>)
      %dma_wait3A_121 = arith.constant 0 : i32
      %dma_wait3A_122 = tpu.memref_slice %arg14[%arg1, %dma_wait3A_121] : memref<16x512xi32, #tpu.memory_space<vmem_shared>> -> memref<1x512xi32, #tpu.memory_space<vmem_shared>>
      %dma_wait3A_123 = tpu.memref_squeeze %dma_wait3A_122 : memref<1x512xi32, #tpu.memory_space<vmem_shared>> -> memref<512xi32, #tpu.memory_space<vmem_shared>>
      %dma_wait3A_124 = arith.constant 0 : i32
      %dma_wait3A_125 = tpu.memref_slice %arg14[%arg1, %dma_wait3A_124] : memref<16x512xi32, #tpu.memory_space<vmem_shared>> -> memref<1x512xi32, #tpu.memory_space<vmem_shared>>
      %dma_wait3A_126 = tpu.memref_squeeze %dma_wait3A_125 : memref<1x512xi32, #tpu.memory_space<vmem_shared>> -> memref<512xi32, #tpu.memory_space<vmem_shared>>
      tpu.wait_dma2 semaphore(%run_scoped3A : memref<!tpu.dma_semaphore, #tpu.memory_space<semaphore_mem>>) src(%arg8 : memref<512xi32, #tpu.memory_space<vmem>>) dst(%dma_wait3A_126 : memref<512xi32, #tpu.memory_space<vmem_shared>>)
      tpu.yield
    }) : () -> ()
    %barrier3A_88 = arith.constant 0 : index
    tpu.barrier barrier_id(%barrier3A_88)
    "tpu.region"() ({
      %run_scoped3A = tpu.sem_alloc : memref<!tpu.dma_semaphore, #tpu.memory_space<semaphore_mem>>
      %dma_start3A_115 = arith.constant 0 : i32
      %dma_start3A_116 = tpu.memref_slice %arg14[%xor3A_3, %dma_start3A_115] : memref<16x512xi32, #tpu.memory_space<vmem_shared>> -> memref<1x512xi32, #tpu.memory_space<vmem_shared>>
      %dma_start3A_117 = tpu.memref_squeeze %dma_start3A_116 : memref<1x512xi32, #tpu.memory_space<vmem_shared>> -> memref<512xi32, #tpu.memory_space<vmem_shared>>
      %dma_start3A_118 = arith.constant 0 : i32
      %dma_start3A_119 = tpu.memref_slice %arg14[%xor3A_3, %dma_start3A_118] : memref<16x512xi32, #tpu.memory_space<vmem_shared>> -> memref<1x512xi32, #tpu.memory_space<vmem_shared>>
      %dma_start3A_120 = tpu.memref_squeeze %dma_start3A_119 : memref<1x512xi32, #tpu.memory_space<vmem_shared>> -> memref<512xi32, #tpu.memory_space<vmem_shared>>
      tpu.enqueue_dma source(%dma_start3A_120 : memref<512xi32, #tpu.memory_space<vmem_shared>>) target(%arg9 : memref<512xi32, #tpu.memory_space<vmem>>) target_semaphore(%run_scoped3A : memref<!tpu.dma_semaphore, #tpu.memory_space<semaphore_mem>>)
      %dma_wait3A_121 = arith.constant 0 : i32
      %dma_wait3A_122 = tpu.memref_slice %arg14[%xor3A_3, %dma_wait3A_121] : memref<16x512xi32, #tpu.memory_space<vmem_shared>> -> memref<1x512xi32, #tpu.memory_space<vmem_shared>>
      %dma_wait3A_123 = tpu.memref_squeeze %dma_wait3A_122 : memref<1x512xi32, #tpu.memory_space<vmem_shared>> -> memref<512xi32, #tpu.memory_space<vmem_shared>>
      %dma_wait3A_124 = arith.constant 0 : i32
      %dma_wait3A_125 = tpu.memref_slice %arg14[%xor3A_3, %dma_wait3A_124] : memref<16x512xi32, #tpu.memory_space<vmem_shared>> -> memref<1x512xi32, #tpu.memory_space<vmem_shared>>
      %dma_wait3A_126 = tpu.memref_squeeze %dma_wait3A_125 : memref<1x512xi32, #tpu.memory_space<vmem_shared>> -> memref<512xi32, #tpu.memory_space<vmem_shared>>
      tpu.wait_dma2 semaphore(%run_scoped3A : memref<!tpu.dma_semaphore, #tpu.memory_space<semaphore_mem>>) src(%dma_wait3A_126 : memref<512xi32, #tpu.memory_space<vmem_shared>>) dst(%arg9 : memref<512xi32, #tpu.memory_space<vmem>>)
      tpu.yield
    }) : () -> ()
    %scan3A_89 = arith.constant 0 : i32
    %scan3A_90 = arith.constant 0 : i32
    %scan3A_91 = arith.constant 32 : i32
    %scan3A_92 = arith.addi %scan3A_90, %scan3A_91 : i32
    %scan3A_93 = arith.constant 1 : i32
    %scan3A_94 = scf.for %scan3A_115 = %scan3A_90 to %scan3A_92 step %scan3A_93 iter_args(%scan3A_116 = %scan3A_89) -> (i32)  : i32 {
      %mul3A_117 = arith.constant 16 : i32
      %mul3A_118 = arith.muli %scan3A_115, %mul3A_117 : i32
      %get3A_119 = arith.index_cast %mul3A_118 : i32 to index
      %get3A_120 = tpu.vector_load %arg8[%get3A_119] {strides = array<i32>} : memref<512xi32, #tpu.memory_space<vmem>>, vector<16xi32>,
      %mul3A_121 = arith.constant 16 : i32
      %mul3A_122 = arith.muli %scan3A_115, %mul3A_121 : i32
      %get3A_123 = arith.index_cast %mul3A_122 : i32 to index
      %get3A_124 = tpu.vector_load %arg9[%get3A_123] {strides = array<i32>} : memref<512xi32, #tpu.memory_space<vmem>>, vector<16xi32>,
      %add3A_125 = arith.addi %get3A_120, %get3A_124 : vector<16xi32>
      %mul3A_126 = arith.constant 16 : i32
      %mul3A_127 = arith.muli %scan3A_115, %mul3A_126 : i32
      %swap3A_128 = arith.index_cast %mul3A_127 : i32 to index
      %swap3A_129 = tpu.vector_load %arg8[%swap3A_128] {strides = array<i32>} : memref<512xi32, #tpu.memory_space<vmem>>, vector<16xi32>,
      tpu.vector_store %arg8[%swap3A_128], %add3A_125 {strides = array<i32>} : memref<512xi32, #tpu.memory_space<vmem>>, vector<16xi32>,
      %broadcast_in_dim3A_130 = arith.constant true
      %broadcast_in_dim3A_131 = vector.broadcast %broadcast_in_dim3A_130 : i1 to vector<16xi1>
      %masked_cumsum3A = tpu.scan <sum>, %add3A_125 masked %broadcast_in_dim3A_131 : vector<16xi32>, vector<16xi1> -> vector<16xi32>
      %add3A_132 = vector.broadcast %scan3A_116 : i32 to vector<16xi32>
      %add3A_133 = arith.addi %masked_cumsum3A, %add3A_132 : vector<16xi32>
      %mul3A_134 = arith.constant 16 : i32
      %mul3A_135 = arith.muli %scan3A_115, %mul3A_134 : i32
      %swap3A_136 = arith.index_cast %mul3A_135 : i32 to index
      %swap3A_137 = tpu.vector_load %arg10[%swap3A_136] {strides = array<i32>} : memref<512xi32, #tpu.memory_space<vmem>>, vector<16xi32>,
      tpu.vector_store %arg10[%swap3A_136], %add3A_133 {strides = array<i32>} : memref<512xi32, #tpu.memory_space<vmem>>, vector<16xi32>,
      %reduce_sum3A = arith.constant true
      %reduce_sum3A_138 = vector.broadcast %reduce_sum3A : i1 to vector<16xi1>
      %reduce_sum3A_139 = tpu.scan <sum>, %add3A_125 masked %reduce_sum3A_138 : vector<16xi32>, vector<16xi1> -> vector<16xi32>
      %reduce_sum3A_140 = vector.extract %reduce_sum3A_139[15] : i32 from vector<16xi32>
      %add3A_141 = arith.addi %scan3A_116, %reduce_sum3A_140 : i32
      scf.yield %add3A_141 : i32
    }
    %scan3A_95 = arith.constant 32 : i32
    %dma_wait3A_96 = arith.constant 0 : i32
    %dma_wait3A_97 = tpu.memref_slice %arg6[%dma_wait3A_96] : memref<3152xf32, #tpu.memory_space<vmem>> -> memref<3136xf32, #tpu.memory_space<vmem>>
    %dma_wait3A_98 = tpu.memref_slice %arg3[%multiple_of3A_21] : memref<50048xf32, #tpu.memory_space<hbm>> -> memref<3136xf32, #tpu.memory_space<hbm>>
    %dma_wait3A_99 = arith.constant 0 : i32
    %dma_wait3A_100 = tpu.memref_slice %arg6[%dma_wait3A_99] : memref<3152xf32, #tpu.memory_space<vmem>> -> memref<3136xf32, #tpu.memory_space<vmem>>
    %dma_wait3A_101 = tpu.memref_slice %arg3[%multiple_of3A_21] : memref<50048xf32, #tpu.memory_space<hbm>> -> memref<3136xf32, #tpu.memory_space<hbm>>
    tpu.wait_dma2 semaphore(%arg16 : memref<!tpu.dma_semaphore, #tpu.memory_space<semaphore_mem>>) src(%dma_wait3A_101 : memref<3136xf32, #tpu.memory_space<hbm>>) dst(%dma_wait3A_100 : memref<3136xf32, #tpu.memory_space<vmem>>)
    %broadcast_in_dim3A_102 = arith.constant 0.000000e+00 : f32
    %broadcast_in_dim3A_103 = vector.broadcast %broadcast_in_dim3A_102 : f32 to vector<16xf32>
    %scan3A_104 = arith.constant 0 : i32
    %scan3A_105 = arith.constant 100 : i32
    %scan3A_106 = arith.addi %scan3A_104, %scan3A_105 : i32
    %scan3A_107 = arith.constant 1 : i32
    %scan3A_108 = scf.for %scan3A_115 = %scan3A_104 to %scan3A_106 step %scan3A_107 iter_args(%scan3A_116 = %broadcast_in_dim3A_103) -> (vector<16xf32>)  : i32 {
      %mul3A_117 = arith.constant 16 : i32
      %mul3A_118 = arith.muli %scan3A_115, %mul3A_117 : i32
      %add3A_119 = arith.addi %sub3A, %mul3A_118 : i32
      %get3A_120 = arith.index_cast %add3A_119 : i32 to index
      %get3A_121 = tpu.vector_load %arg5[%get3A_120] {strides = array<i32>} : memref<1728xf32, #tpu.memory_space<vmem>>, vector<16xf32>,
      %mul3A_122 = arith.constant 16 : i32
      %mul3A_123 = arith.muli %scan3A_115, %mul3A_122 : i32
      %get3A_124 = arith.index_cast %mul3A_123 : i32 to index
      %get3A_125 = tpu.vector_load %arg7[%get3A_124] {strides = array<i32>} : memref<1600xi32, #tpu.memory_space<vmem>>, vector<16xi32>,
      %gather3A = tpu.vector_load_idx %arg8[%get3A_125] : memref<512xi32, #tpu.memory_space<vmem>>[vector<16xi32>], vector<16xi32>,
      %gather3A_126 = tpu.vector_load_idx %arg10[%get3A_125] : memref<512xi32, #tpu.memory_space<vmem>>[vector<16xi32>], vector<16xi32>,
      %sub3A_127 = arith.subi %gather3A_126, %gather3A : vector<16xi32>
      %sub3A_128 = arith.constant 1 : i32
      %sub3A_129 = vector.broadcast %sub3A_128 : i32 to vector<16xi32>
      %sub3A_130 = arith.subi %gather3A, %sub3A_129 : vector<16xi32>
      %convert_element_type3A = arith.sitofp %sub3A_127 : vector<16xi32> to vector<16xf32>
      %convert_element_type3A_131 = arith.sitofp %sub3A_130 : vector<16xi32> to vector<16xf32>
      %mul3A_132 = arith.constant 5.000000e-01 : f32
      %mul3A_133 = vector.broadcast %mul3A_132 : f32 to vector<16xf32>
      %mul3A_134 = arith.mulf %convert_element_type3A_131, %mul3A_133 : vector<16xf32>
      %add3A_135 = arith.addf %convert_element_type3A, %mul3A_134 : vector<16xf32>
      %add3A_136 = arith.constant 1.000000e+00 : f32
      %add3A_137 = vector.broadcast %add3A_136 : f32 to vector<16xf32>
      %add3A_138 = arith.addf %add3A_135, %add3A_137 : vector<16xf32>
      %mul3A_139 = arith.constant 3.200000e-04 : f32
      %mul3A_140 = vector.broadcast %mul3A_139 : f32 to vector<16xf32>
      %mul3A_141 = arith.mulf %add3A_138, %mul3A_140 : vector<16xf32>
      %shift_right_arithmetic3A_142 = arith.constant 1 : i32
      %shift_right_arithmetic3A_143 = vector.broadcast %shift_right_arithmetic3A_142 : i32 to vector<16xi32>
      %shift_right_arithmetic3A_144 = arith.shrsi %sub3A_130, %shift_right_arithmetic3A_143 : vector<16xi32>
      %add3A_145 = arith.addi %sub3A_127, %shift_right_arithmetic3A_144 : vector<16xi32>
      %jit3A = arith.constant 0 : i32
      %jit3A_146 = arith.constant 3124 : i32
      %max3A_147 = vector.broadcast %jit3A : i32 to vector<16xi32>
      %max3A_148 = arith.maxsi %max3A_147, %add3A_145 : vector<16xi32>
      %min3A_149 = vector.broadcast %jit3A_146 : i32 to vector<16xi32>
      %min3A_150 = arith.minsi %min3A_149, %max3A_148 : vector<16xi32>
      %add3A_151 = vector.broadcast %sub3A_22 : i32 to vector<16xi32>
      %add3A_152 = arith.addi %min3A_150, %add3A_151 : vector<16xi32>
      %gather3A_153 = tpu.vector_load_idx %arg6[%add3A_152] : memref<3152xf32, #tpu.memory_space<vmem>>[vector<16xi32>], vector<16xf32>,
      %sub3A_154 = arith.subf %get3A_121, %gather3A_153 : vector<16xf32>
      %abs3A = math.absf %sub3A_154 : vector<16xf32>
      %le3A = arith.constant 0.000000e+00 : f32
      %le3A_155 = vector.broadcast %le3A : f32 to vector<16xf32>
      %le3A_156 = arith.cmpf ole, %sub3A_154, %le3A_155 : vector<16xf32>
      %jit3A_157 = arith.constant 1.000000e+00 : f32
      %jit3A_158 = arith.constant 0.000000e+00 : f32
      %broadcast_in_dim3A_159 = vector.broadcast %jit3A_157 : f32 to vector<16xf32>
      %broadcast_in_dim3A_160 = vector.broadcast %jit3A_158 : f32 to vector<16xf32>
      %select_n3A = arith.select %le3A_156, %broadcast_in_dim3A_159, %broadcast_in_dim3A_160 : vector<16xi1>, vector<16xf32>
      %sub3A_161 = arith.subf %mul3A_141, %select_n3A : vector<16xf32>
      %abs3A_162 = math.absf %sub3A_161 : vector<16xf32>
      %mul3A_163 = arith.constant 2.500000e+02 : f32
      %mul3A_164 = vector.broadcast %mul3A_163 : f32 to vector<16xf32>
      %mul3A_165 = arith.mulf %abs3A_162, %mul3A_164 : vector<16xf32>
      %mul3A_166 = arith.mulf %mul3A_165, %sub3A_154 : vector<16xf32>
      %mul3A_167 = arith.mulf %mul3A_166, %sub3A_154 : vector<16xf32>
      %sub3A_168 = arith.constant 1.000000e-03 : f32
      %sub3A_169 = vector.broadcast %sub3A_168 : f32 to vector<16xf32>
      %sub3A_170 = arith.subf %abs3A, %sub3A_169 : vector<16xf32>
      %mul3A_171 = arith.mulf %abs3A_162, %sub3A_170 : vector<16xf32>
      %le3A_172 = arith.constant 2.000000e-03 : f32
      %le3A_173 = vector.broadcast %le3A_172 : f32 to vector<16xf32>
      %le3A_174 = arith.cmpf ole, %abs3A, %le3A_173 : vector<16xf32>
      %select_n3A_175 = arith.select %le3A_174, %mul3A_167, %mul3A_171 : vector<16xi1>, vector<16xf32>
      %mul3A_176 = arith.constant 16 : i32
      %mul3A_177 = arith.muli %scan3A_115, %mul3A_176 : i32
      %add3A_178 = arith.addi %mul3A_40, %mul3A_177 : i32
      %add3A_179 = vector.broadcast %add3A_178 : i32 to vector<16xi32>
      %add3A_180 = arith.addi %add3A_179, %iota3A : vector<16xi32>
      %lt3A = arith.constant 3125 : i32
      %lt3A_181 = vector.broadcast %lt3A : i32 to vector<16xi32>
      %lt3A_182 = arith.cmpi slt, %add3A_180, %lt3A_181 : vector<16xi32>
      %jit3A_183 = arith.constant 0.000000e+00 : f32
      %broadcast_in_dim3A_184 = vector.broadcast %jit3A_183 : f32 to vector<16xf32>
      %select_n3A_185 = arith.select %lt3A_182, %select_n3A_175, %broadcast_in_dim3A_184 : vector<16xi1>, vector<16xf32>
      %add3A_186 = arith.addf %scan3A_116, %select_n3A_185 : vector<16xf32>
      scf.yield %add3A_186 : vector<16xf32>
    }
    %scan3A_109 = arith.constant 100 : i32
    %swap3A_110 = arith.constant 0 : index
    %swap3A_111 = tpu.vector_load %arg11[%swap3A_110] {strides = array<i32>} : memref<16xf32, #tpu.memory_space<vmem>>, vector<16xf32>,
    tpu.vector_store %arg11[%swap3A_110], %scan3A_108 {strides = array<i32>} : memref<16xf32, #tpu.memory_space<vmem>>, vector<16xf32>,
    %mul3A_112 = arith.constant 16 : i32
    %mul3A_113 = arith.muli %arg0, %mul3A_112 : i32
    %add3A_114 = arith.addi %mul3A_113, %arg1 : i32
    "tpu.region"() ({
      %run_scoped3A = tpu.sem_alloc : memref<!tpu.dma_semaphore, #tpu.memory_space<semaphore_mem>>
      %dma_start3A_115 = arith.constant 0 : i32
      %dma_start3A_116 = tpu.memref_slice %arg4[%add3A_114, %dma_start3A_115] : memref<32x16xf32, #tpu.memory_space<hbm>> -> memref<1x16xf32, #tpu.memory_space<hbm>>
      %dma_start3A_117 = tpu.memref_squeeze %dma_start3A_116 : memref<1x16xf32, #tpu.memory_space<hbm>> -> memref<16xf32, #tpu.memory_space<hbm>>
      %dma_start3A_118 = arith.constant 0 : i32
      %dma_start3A_119 = tpu.memref_slice %arg4[%add3A_114, %dma_start3A_118] : memref<32x16xf32, #tpu.memory_space<hbm>> -> memref<1x16xf32, #tpu.memory_space<hbm>>
      %dma_start3A_120 = tpu.memref_squeeze %dma_start3A_119 : memref<1x16xf32, #tpu.memory_space<hbm>> -> memref<16xf32, #tpu.memory_space<hbm>>
      tpu.enqueue_dma source(%arg11 : memref<16xf32, #tpu.memory_space<vmem>>) target(%dma_start3A_120 : memref<16xf32, #tpu.memory_space<hbm>>) target_semaphore(%run_scoped3A : memref<!tpu.dma_semaphore, #tpu.memory_space<semaphore_mem>>)
      %dma_wait3A_121 = arith.constant 0 : i32
      %dma_wait3A_122 = tpu.memref_slice %arg4[%add3A_114, %dma_wait3A_121] : memref<32x16xf32, #tpu.memory_space<hbm>> -> memref<1x16xf32, #tpu.memory_space<hbm>>
      %dma_wait3A_123 = tpu.memref_squeeze %dma_wait3A_122 : memref<1x16xf32, #tpu.memory_space<hbm>> -> memref<16xf32, #tpu.memory_space<hbm>>
      %dma_wait3A_124 = arith.constant 0 : i32
      %dma_wait3A_125 = tpu.memref_slice %arg4[%add3A_114, %dma_wait3A_124] : memref<32x16xf32, #tpu.memory_space<hbm>> -> memref<1x16xf32, #tpu.memory_space<hbm>>
      %dma_wait3A_126 = tpu.memref_squeeze %dma_wait3A_125 : memref<1x16xf32, #tpu.memory_space<hbm>> -> memref<16xf32, #tpu.memory_space<hbm>>
      tpu.wait_dma2 semaphore(%run_scoped3A : memref<!tpu.dma_semaphore, #tpu.memory_space<semaphore_mem>>) src(%arg11 : memref<16xf32, #tpu.memory_space<vmem>>) dst(%dma_wait3A_126 : memref<16xf32, #tpu.memory_space<hbm>>)
      tpu.yield
    }) : () -> ()
    return
  }
}

module attributes {stable_mosaic.version = 14 : i64} {
  func.func @_rates_body(%arg0: i32, %arg1: memref<2x16x50000xf32, #tpu.memory_space<vmem>>, %arg2: memref<16x3125xf32, #tpu.memory_space<vmem>>, %arg3: memref<50000xf32, #tpu.memory_space<vmem>>, %arg4: memref<50048xf32, #tpu.memory_space<vmem>>, %arg5: memref<16x50000xf32, #tpu.memory_space<vmem>>) attributes {dimension_semantics = [#tpu.dimension_semantics<arbitrary>], iteration_bounds = array<i64: 32>, scalar_prefetch = 0 : i64, scratch_operands = 1 : i64, tpu.core_type = #tpu.core_type<tc>, window_params = [{transform_indices = @transform_0, window_bounds = array<i64: 2, 16, 50000>}, {pipeline_mode = #tpu.pipeline_mode<synchronous>, transform_indices = @transform_1, window_bounds = array<i64: 16, 3125>}, {pipeline_mode = #tpu.pipeline_mode<synchronous>, transform_indices = @transform_2, window_bounds = array<i64: 50000>}, {pipeline_mode = #tpu.pipeline_mode<synchronous>, transform_indices = @transform_3, window_bounds = array<i64: 50048>}]} {
    %eq3A = arith.constant 0 : i32
    %eq3A_0 = arith.cmpi eq, %arg0, %eq3A : i32
    %convert_element_type3A = arith.extui %eq3A_0 : i1 to i32
    %cond3A = arith.constant 0 : i32
    %cond3A_1 = arith.cmpi ne, %convert_element_type3A, %cond3A : i32
    scf.if %cond3A_1 {
      %broadcast_in_dim3A = arith.constant 0.000000e+00 : f32
      %broadcast_in_dim3A_12 = vector.broadcast %broadcast_in_dim3A : f32 to vector<2x50000xf32>
      %swap3A = arith.constant 0 : index
      %swap3A_13 = arith.constant 0 : index
      %swap3A_14 = vector.load %arg5[%swap3A, %swap3A_13] : memref<16x50000xf32, #tpu.memory_space<vmem>>, vector<2x50000xf32>
      tpu.vector_store %arg5[%swap3A, %swap3A_13], %broadcast_in_dim3A_12 {strides = array<i32>} : memref<16x50000xf32, #tpu.memory_space<vmem>>, vector<2x50000xf32>,
      %get3A = arith.constant 0 : index
      %get3A_15 = arith.constant 2 : index
      %get3A_16 = arith.constant 0 : index
      %get3A_17 = vector.load %arg1[%get3A, %get3A_15, %get3A_16] : memref<2x16x50000xf32, #tpu.memory_space<vmem>>, vector<1x14x50000xf32>
      %get3A_18 = vector.shape_cast %get3A_17 : vector<1x14x50000xf32> to vector<14x50000xf32>
      %get3A_19 = arith.constant 1 : index
      %get3A_20 = arith.constant 2 : index
      %get3A_21 = arith.constant 0 : index
      %get3A_22 = vector.load %arg1[%get3A_19, %get3A_20, %get3A_21] : memref<2x16x50000xf32, #tpu.memory_space<vmem>>, vector<1x14x50000xf32>
      %get3A_23 = vector.shape_cast %get3A_22 : vector<1x14x50000xf32> to vector<14x50000xf32>
      %add3A = arith.addf %get3A_18, %get3A_23 : vector<14x50000xf32>
      %swap3A_24 = arith.constant 2 : index
      %swap3A_25 = arith.constant 0 : index
      %swap3A_26 = vector.load %arg5[%swap3A_24, %swap3A_25] : memref<16x50000xf32, #tpu.memory_space<vmem>>, vector<14x50000xf32>
      tpu.vector_store %arg5[%swap3A_24, %swap3A_25], %add3A {strides = array<i32>} : memref<16x50000xf32, #tpu.memory_space<vmem>>, vector<14x50000xf32>,
      %get3A_27 = arith.constant 0 : index
      %get3A_28 = arith.constant 0 : index
      %get3A_29 = vector.load %arg2[%get3A_27, %get3A_28] : memref<16x3125xf32, #tpu.memory_space<vmem>>, vector<1x3125xf32>
      %get3A_30 = vector.shape_cast %get3A_29 : vector<1x3125xf32> to vector<3125xf32>
      %swap3A_31 = arith.constant 0 : index
      %swap3A_32 = vector.load %arg4[%swap3A_31] : memref<50048xf32, #tpu.memory_space<vmem>>, vector<3125xf32>
      tpu.vector_store %arg4[%swap3A_31], %get3A_30 {strides = array<i32>} : memref<50048xf32, #tpu.memory_space<vmem>>, vector<3125xf32>,
      %get3A_33 = arith.constant 1 : index
      %get3A_34 = arith.constant 0 : index
      %get3A_35 = vector.load %arg2[%get3A_33, %get3A_34] : memref<16x3125xf32, #tpu.memory_space<vmem>>, vector<1x3125xf32>
      %get3A_36 = vector.shape_cast %get3A_35 : vector<1x3125xf32> to vector<3125xf32>
      %swap3A_37 = arith.constant 3125 : index
      %swap3A_38 = vector.load %arg4[%swap3A_37] : memref<50048xf32, #tpu.memory_space<vmem>>, vector<3125xf32>
      tpu.vector_store %arg4[%swap3A_37], %get3A_36 {strides = array<i32>} : memref<50048xf32, #tpu.memory_space<vmem>>, vector<3125xf32>,
      %get3A_39 = arith.constant 2 : index
      %get3A_40 = arith.constant 0 : index
      %get3A_41 = vector.load %arg2[%get3A_39, %get3A_40] : memref<16x3125xf32, #tpu.memory_space<vmem>>, vector<1x3125xf32>
      %get3A_42 = vector.shape_cast %get3A_41 : vector<1x3125xf32> to vector<3125xf32>
      %swap3A_43 = arith.constant 6250 : index
      %swap3A_44 = vector.load %arg4[%swap3A_43] : memref<50048xf32, #tpu.memory_space<vmem>>, vector<3125xf32>
      tpu.vector_store %arg4[%swap3A_43], %get3A_42 {strides = array<i32>} : memref<50048xf32, #tpu.memory_space<vmem>>, vector<3125xf32>,
      %get3A_45 = arith.constant 3 : index
      %get3A_46 = arith.constant 0 : index
      %get3A_47 = vector.load %arg2[%get3A_45, %get3A_46] : memref<16x3125xf32, #tpu.memory_space<vmem>>, vector<1x3125xf32>
      %get3A_48 = vector.shape_cast %get3A_47 : vector<1x3125xf32> to vector<3125xf32>
      %swap3A_49 = arith.constant 9375 : index
      %swap3A_50 = vector.load %arg4[%swap3A_49] : memref<50048xf32, #tpu.memory_space<vmem>>, vector<3125xf32>
      tpu.vector_store %arg4[%swap3A_49], %get3A_48 {strides = array<i32>} : memref<50048xf32, #tpu.memory_space<vmem>>, vector<3125xf32>,
      %get3A_51 = arith.constant 4 : index
      %get3A_52 = arith.constant 0 : index
      %get3A_53 = vector.load %arg2[%get3A_51, %get3A_52] : memref<16x3125xf32, #tpu.memory_space<vmem>>, vector<1x3125xf32>
      %get3A_54 = vector.shape_cast %get3A_53 : vector<1x3125xf32> to vector<3125xf32>
      %swap3A_55 = arith.constant 12500 : index
      %swap3A_56 = vector.load %arg4[%swap3A_55] : memref<50048xf32, #tpu.memory_space<vmem>>, vector<3125xf32>
      tpu.vector_store %arg4[%swap3A_55], %get3A_54 {strides = array<i32>} : memref<50048xf32, #tpu.memory_space<vmem>>, vector<3125xf32>,
      %get3A_57 = arith.constant 5 : index
      %get3A_58 = arith.constant 0 : index
      %get3A_59 = vector.load %arg2[%get3A_57, %get3A_58] : memref<16x3125xf32, #tpu.memory_space<vmem>>, vector<1x3125xf32>
      %get3A_60 = vector.shape_cast %get3A_59 : vector<1x3125xf32> to vector<3125xf32>
      %swap3A_61 = arith.constant 15625 : index
      %swap3A_62 = vector.load %arg4[%swap3A_61] : memref<50048xf32, #tpu.memory_space<vmem>>, vector<3125xf32>
      tpu.vector_store %arg4[%swap3A_61], %get3A_60 {strides = array<i32>} : memref<50048xf32, #tpu.memory_space<vmem>>, vector<3125xf32>,
      %get3A_63 = arith.constant 6 : index
      %get3A_64 = arith.constant 0 : index
      %get3A_65 = vector.load %arg2[%get3A_63, %get3A_64] : memref<16x3125xf32, #tpu.memory_space<vmem>>, vector<1x3125xf32>
      %get3A_66 = vector.shape_cast %get3A_65 : vector<1x3125xf32> to vector<3125xf32>
      %swap3A_67 = arith.constant 18750 : index
      %swap3A_68 = vector.load %arg4[%swap3A_67] : memref<50048xf32, #tpu.memory_space<vmem>>, vector<3125xf32>
      tpu.vector_store %arg4[%swap3A_67], %get3A_66 {strides = array<i32>} : memref<50048xf32, #tpu.memory_space<vmem>>, vector<3125xf32>,
      %get3A_69 = arith.constant 7 : index
      %get3A_70 = arith.constant 0 : index
      %get3A_71 = vector.load %arg2[%get3A_69, %get3A_70] : memref<16x3125xf32, #tpu.memory_space<vmem>>, vector<1x3125xf32>
      %get3A_72 = vector.shape_cast %get3A_71 : vector<1x3125xf32> to vector<3125xf32>
      %swap3A_73 = arith.constant 21875 : index
      %swap3A_74 = vector.load %arg4[%swap3A_73] : memref<50048xf32, #tpu.memory_space<vmem>>, vector<3125xf32>
      tpu.vector_store %arg4[%swap3A_73], %get3A_72 {strides = array<i32>} : memref<50048xf32, #tpu.memory_space<vmem>>, vector<3125xf32>,
      %get3A_75 = arith.constant 8 : index
      %get3A_76 = arith.constant 0 : index
      %get3A_77 = vector.load %arg2[%get3A_75, %get3A_76] : memref<16x3125xf32, #tpu.memory_space<vmem>>, vector<1x3125xf32>
      %get3A_78 = vector.shape_cast %get3A_77 : vector<1x3125xf32> to vector<3125xf32>
      %swap3A_79 = arith.constant 25000 : index
      %swap3A_80 = vector.load %arg4[%swap3A_79] : memref<50048xf32, #tpu.memory_space<vmem>>, vector<3125xf32>
      tpu.vector_store %arg4[%swap3A_79], %get3A_78 {strides = array<i32>} : memref<50048xf32, #tpu.memory_space<vmem>>, vector<3125xf32>,
      %get3A_81 = arith.constant 9 : index
      %get3A_82 = arith.constant 0 : index
      %get3A_83 = vector.load %arg2[%get3A_81, %get3A_82] : memref<16x3125xf32, #tpu.memory_space<vmem>>, vector<1x3125xf32>
      %get3A_84 = vector.shape_cast %get3A_83 : vector<1x3125xf32> to vector<3125xf32>
      %swap3A_85 = arith.constant 28125 : index
      %swap3A_86 = vector.load %arg4[%swap3A_85] : memref<50048xf32, #tpu.memory_space<vmem>>, vector<3125xf32>
      tpu.vector_store %arg4[%swap3A_85], %get3A_84 {strides = array<i32>} : memref<50048xf32, #tpu.memory_space<vmem>>, vector<3125xf32>,
      %get3A_87 = arith.constant 10 : index
      %get3A_88 = arith.constant 0 : index
      %get3A_89 = vector.load %arg2[%get3A_87, %get3A_88] : memref<16x3125xf32, #tpu.memory_space<vmem>>, vector<1x3125xf32>
      %get3A_90 = vector.shape_cast %get3A_89 : vector<1x3125xf32> to vector<3125xf32>
      %swap3A_91 = arith.constant 31250 : index
      %swap3A_92 = vector.load %arg4[%swap3A_91] : memref<50048xf32, #tpu.memory_space<vmem>>, vector<3125xf32>
      tpu.vector_store %arg4[%swap3A_91], %get3A_90 {strides = array<i32>} : memref<50048xf32, #tpu.memory_space<vmem>>, vector<3125xf32>,
      %get3A_93 = arith.constant 11 : index
      %get3A_94 = arith.constant 0 : index
      %get3A_95 = vector.load %arg2[%get3A_93, %get3A_94] : memref<16x3125xf32, #tpu.memory_space<vmem>>, vector<1x3125xf32>
      %get3A_96 = vector.shape_cast %get3A_95 : vector<1x3125xf32> to vector<3125xf32>
      %swap3A_97 = arith.constant 34375 : index
      %swap3A_98 = vector.load %arg4[%swap3A_97] : memref<50048xf32, #tpu.memory_space<vmem>>, vector<3125xf32>
      tpu.vector_store %arg4[%swap3A_97], %get3A_96 {strides = array<i32>} : memref<50048xf32, #tpu.memory_space<vmem>>, vector<3125xf32>,
      %get3A_99 = arith.constant 12 : index
      %get3A_100 = arith.constant 0 : index
      %get3A_101 = vector.load %arg2[%get3A_99, %get3A_100] : memref<16x3125xf32, #tpu.memory_space<vmem>>, vector<1x3125xf32>
      %get3A_102 = vector.shape_cast %get3A_101 : vector<1x3125xf32> to vector<3125xf32>
      %swap3A_103 = arith.constant 37500 : index
      %swap3A_104 = vector.load %arg4[%swap3A_103] : memref<50048xf32, #tpu.memory_space<vmem>>, vector<3125xf32>
      tpu.vector_store %arg4[%swap3A_103], %get3A_102 {strides = array<i32>} : memref<50048xf32, #tpu.memory_space<vmem>>, vector<3125xf32>,
      %get3A_105 = arith.constant 13 : index
      %get3A_106 = arith.constant 0 : index
      %get3A_107 = vector.load %arg2[%get3A_105, %get3A_106] : memref<16x3125xf32, #tpu.memory_space<vmem>>, vector<1x3125xf32>
      %get3A_108 = vector.shape_cast %get3A_107 : vector<1x3125xf32> to vector<3125xf32>
      %swap3A_109 = arith.constant 40625 : index
      %swap3A_110 = vector.load %arg4[%swap3A_109] : memref<50048xf32, #tpu.memory_space<vmem>>, vector<3125xf32>
      tpu.vector_store %arg4[%swap3A_109], %get3A_108 {strides = array<i32>} : memref<50048xf32, #tpu.memory_space<vmem>>, vector<3125xf32>,
      %get3A_111 = arith.constant 14 : index
      %get3A_112 = arith.constant 0 : index
      %get3A_113 = vector.load %arg2[%get3A_111, %get3A_112] : memref<16x3125xf32, #tpu.memory_space<vmem>>, vector<1x3125xf32>
      %get3A_114 = vector.shape_cast %get3A_113 : vector<1x3125xf32> to vector<3125xf32>
      %swap3A_115 = arith.constant 43750 : index
      %swap3A_116 = vector.load %arg4[%swap3A_115] : memref<50048xf32, #tpu.memory_space<vmem>>, vector<3125xf32>
      tpu.vector_store %arg4[%swap3A_115], %get3A_114 {strides = array<i32>} : memref<50048xf32, #tpu.memory_space<vmem>>, vector<3125xf32>,
      %get3A_117 = arith.constant 15 : index
      %get3A_118 = arith.constant 0 : index
      %get3A_119 = vector.load %arg2[%get3A_117, %get3A_118] : memref<16x3125xf32, #tpu.memory_space<vmem>>, vector<1x3125xf32>
      %get3A_120 = vector.shape_cast %get3A_119 : vector<1x3125xf32> to vector<3125xf32>
      %swap3A_121 = arith.constant 46875 : index
      %swap3A_122 = vector.load %arg4[%swap3A_121] : memref<50048xf32, #tpu.memory_space<vmem>>, vector<3125xf32>
      tpu.vector_store %arg4[%swap3A_121], %get3A_120 {strides = array<i32>} : memref<50048xf32, #tpu.memory_space<vmem>>, vector<3125xf32>,
    } else {
    }
    %gt3A = arith.constant 0 : i32
    %gt3A_2 = arith.cmpi sgt, %arg0, %gt3A : i32
    %lt3A = arith.constant 31 : i32
    %lt3A_3 = arith.cmpi slt, %arg0, %lt3A : i32
    %and3A = arith.andi %gt3A_2, %lt3A_3 : i1
    %convert_element_type3A_4 = arith.extui %and3A : i1 to i32
    %cond3A_5 = arith.constant 0 : i32
    %cond3A_6 = arith.cmpi ne, %convert_element_type3A_4, %cond3A_5 : i32
    scf.if %cond3A_6 {
      %get3A = arith.constant 0 : index
      %get3A_12 = arith.constant 0 : index
      %get3A_13 = vector.load %arg5[%get3A, %get3A_12] : memref<16x50000xf32, #tpu.memory_space<vmem>>, vector<16x50000xf32>
      %get3A_14 = arith.constant 0 : index
      %get3A_15 = arith.constant 0 : index
      %get3A_16 = arith.constant 0 : index
      %get3A_17 = vector.load %arg1[%get3A_14, %get3A_15, %get3A_16] : memref<2x16x50000xf32, #tpu.memory_space<vmem>>, vector<1x16x50000xf32>
      %get3A_18 = vector.shape_cast %get3A_17 : vector<1x16x50000xf32> to vector<16x50000xf32>
      %get3A_19 = arith.constant 1 : index
      %get3A_20 = arith.constant 0 : index
      %get3A_21 = arith.constant 0 : index
      %get3A_22 = vector.load %arg1[%get3A_19, %get3A_20, %get3A_21] : memref<2x16x50000xf32, #tpu.memory_space<vmem>>, vector<1x16x50000xf32>
      %get3A_23 = vector.shape_cast %get3A_22 : vector<1x16x50000xf32> to vector<16x50000xf32>
      %add3A = arith.addf %get3A_18, %get3A_23 : vector<16x50000xf32>
      %add3A_24 = arith.addf %get3A_13, %add3A : vector<16x50000xf32>
      %swap3A = arith.constant 0 : index
      %swap3A_25 = arith.constant 0 : index
      %swap3A_26 = vector.load %arg5[%swap3A, %swap3A_25] : memref<16x50000xf32, #tpu.memory_space<vmem>>, vector<16x50000xf32>
      tpu.vector_store %arg5[%swap3A, %swap3A_25], %add3A_24 {strides = array<i32>} : memref<16x50000xf32, #tpu.memory_space<vmem>>, vector<16x50000xf32>,
    } else {
    }
    %eq3A_7 = arith.constant 31 : i32
    %eq3A_8 = arith.cmpi eq, %arg0, %eq3A_7 : i32
    %convert_element_type3A_9 = arith.extui %eq3A_8 : i1 to i32
    %cond3A_10 = arith.constant 0 : i32
    %cond3A_11 = arith.cmpi ne, %convert_element_type3A_9, %cond3A_10 : i32
    scf.if %cond3A_11 {
      %get3A = arith.constant 0 : index
      %get3A_12 = arith.constant 0 : index
      %get3A_13 = vector.load %arg5[%get3A, %get3A_12] : memref<16x50000xf32, #tpu.memory_space<vmem>>, vector<6x50000xf32>
      %get3A_14 = arith.constant 0 : index
      %get3A_15 = arith.constant 0 : index
      %get3A_16 = arith.constant 0 : index
      %get3A_17 = vector.load %arg1[%get3A_14, %get3A_15, %get3A_16] : memref<2x16x50000xf32, #tpu.memory_space<vmem>>, vector<1x6x50000xf32>
      %get3A_18 = vector.shape_cast %get3A_17 : vector<1x6x50000xf32> to vector<6x50000xf32>
      %get3A_19 = arith.constant 1 : index
      %get3A_20 = arith.constant 0 : index
      %get3A_21 = arith.constant 0 : index
      %get3A_22 = vector.load %arg1[%get3A_19, %get3A_20, %get3A_21] : memref<2x16x50000xf32, #tpu.memory_space<vmem>>, vector<1x6x50000xf32>
      %get3A_23 = vector.shape_cast %get3A_22 : vector<1x6x50000xf32> to vector<6x50000xf32>
      %add3A = arith.addf %get3A_18, %get3A_23 : vector<6x50000xf32>
      %add3A_24 = arith.addf %get3A_13, %add3A : vector<6x50000xf32>
      %swap3A = arith.constant 0 : index
      %swap3A_25 = arith.constant 0 : index
      %swap3A_26 = vector.load %arg5[%swap3A, %swap3A_25] : memref<16x50000xf32, #tpu.memory_space<vmem>>, vector<6x50000xf32>
      tpu.vector_store %arg5[%swap3A, %swap3A_25], %add3A_24 {strides = array<i32>} : memref<16x50000xf32, #tpu.memory_space<vmem>>, vector<6x50000xf32>,
      %get3A_27 = arith.constant 0 : index
      %get3A_28 = arith.constant 0 : index
      %get3A_29 = vector.load %arg5[%get3A_27, %get3A_28] : memref<16x50000xf32, #tpu.memory_space<vmem>>, vector<16x50000xf32>
      %reduce_sum3A = arith.constant dense<0.000000e+00> : vector<50000xf32>
      %reduce_sum3A_30 = vector.multi_reduction <add>, %get3A_29, %reduce_sum3A [0] : vector<16x50000xf32> to vector<50000xf32>
      %mul3A = arith.constant 1.000000e-03 : f32
      %mul3A_31 = vector.broadcast %mul3A : f32 to vector<50000xf32>
      %mul3A_32 = arith.mulf %reduce_sum3A_30, %mul3A_31 : vector<50000xf32>
      %swap3A_33 = arith.constant 0 : index
      %swap3A_34 = vector.load %arg3[%swap3A_33] : memref<50000xf32, #tpu.memory_space<vmem>>, vector<50000xf32>
      tpu.vector_store %arg3[%swap3A_33], %mul3A_32 {strides = array<i32>} : memref<50000xf32, #tpu.memory_space<vmem>>, vector<50000xf32>,
    } else {
    }
    return
  }
  func.func @transform_0(%arg0: i32) -> (i32, i32, i32) {
    %add3A = arith.constant 3 : i32
    %add3A_0 = arith.addi %arg0, %add3A : i32
    %c0_i32 = arith.constant 0 : i32
    %c0_i32_1 = arith.constant 0 : i32
    %c0_i32_2 = arith.constant 0 : i32
    return %c0_i32, %add3A_0, %c0_i32_1 : i32, i32, i32
  }
  func.func @transform_1(%arg0: i32) -> (i32, i32) {
    %c0_i32 = arith.constant 0 : i32
    %c0_i32_0 = arith.constant 0 : i32
    %c0_i32_1 = arith.constant 0 : i32
    return %c0_i32, %c0_i32_0 : i32, i32
  }
  func.func @transform_2(%arg0: i32) -> i32 {
    %c0_i32 = arith.constant 0 : i32
    %c0_i32_0 = arith.constant 0 : i32
    return %c0_i32 : i32
  }
  func.func @transform_3(%arg0: i32) -> i32 {
    %c0_i32 = arith.constant 0 : i32
    %c0_i32_0 = arith.constant 0 : i32
    return %c0_i32 : i32
  }
}

</mosaic_0001>

<sc_bundles>
// kernel: kernel.4.cloned.1.call-start
scs
__scs_entry_jumppad:
0x0: {  	(pc) =	sbr.rel $0x88, $3  }
0x1: {  	(tag) =	ssettag $0x0;
	lr =	simm.s32 $0x1  }
0x2: {  	[smem:$0x3F9F] =	sst lr;
	_ =	strace $0xD0000000  }
0x3: {  	_ = 	snop  }
0x4: {  	_ = 	snop  }
0x5: {  	_ = 	snop  }
0x6: {  	_ = 	snop  }
0x7: {  	_ = 	snop  }
__scs_overlays_trampoline_lowered:
0x8: {  	[smem:$0x3FAE] =	sst s0  }
0x9: {  	[smem:$0x3FAF] =	sst s1  }
0xa: {  	[smem:$0x3FB0] =	sst s2  }
0xb: {  	[smem:$0x3FB1] =	sst s3  }
0xc: {  	[smem:$0x3FB2] =	sst s4  }
0xd: {  	[smem:$0x3FB3] =	sst s5  }
0xe: {  	[smem:$0x3FB4] =	sst s6  }
0xf: {  	[smem:$0x3FB5] =	sst s7  }
0x10: {  	[smem:$0x3FB6] =	sst s8  }
0x11: {  	[smem:$0x3FB7] =	sst s9;
	s0 =	simm.s32 @!p0 $0x0  }
0x12: {  	s1 =	sld [smem:$0x3F9D];
	s0 =	simm.s32 @p0 $0x1  }
0x13: {  	[smem:$0x3FB8] =	sst s0;
	s0 =	simm.s32 @!p1 $0x0  }
0x14: {  	s2 =	sld [smem:$0x3F9C];
	s0 =	simm.s32 @p1 $0x1  }
0x15: {  	[smem:$0x3FB9] =	sst s0;
	s0 =	simm.s32 @!p2 $0x0  }
0x16: {  	s3 =	sld [smem:$0x3FDB];
	s0 =	simm.s32 @p2 $0x1  }
0x17: {  	s4 =	simm.s32 $0x1BF5;
	[smem:$0x3FBB] =	sst s0  }
0x18: {  	s0 =	sld [smem:$0x3F9E];
	_ =	swait.ge [sflag:s4], $0x0  }
0x19: {  	s7 =	sld [smem:$0x3F9F]  }
0x1a: {  	s8 =	sadd.s32 $0xFFFFE003, lr  }
0x1b: {  	s9 =	sadd.s32 $0xFFFFFEF7, lr;
	s5 =	simm.s32 $0xFFFFFFFF;
	p2 =	slt.u32 s8, $0xFFFFF086  }
0x1c: {  	p1 =	slt.u32 s9, $0xF7A;
	s5 =	simm.s32 @!p2 $0x0  }
0x1d: {  	s5 =	simm.s32 @p1 $0x1;
	p0 =	seq.s32 s7, s2  }
0x1e: {  	s7 =	smul.u32 @!p0 $0xF7A, s2;
	p2 =	seq.s32 @!p0 s5, $0x0  }
0x1f: {  	s9 =	smul.u32 $0xF7A, s1;
	s8 =	simm.s32 @!p0 $0x1BF5;
	p2 =	por !p2, p0  }
0x20: {  	[sflag:s8] =	ssyncset.s32 @!p0 $0xFFFFF086;
	s6 =	sadd.s32 @!p0 s3, s7;
	s7 =	simm.s32 @!p0 $0x108  }
0x21: {  	s3 =	sadd.s32 s3, s9;
	s6 =	sadd.s32 @!p0 $0x88, s6;
	s7 =	simm.s32 @p2 $0x1082  }
0x22: {  	[simem:s7], [sflag:s8] =	dma.local @!p0 [hbm:s6], $0xF7A  }
0x23: {  	s9 =	sor.u32 $0xD0000000, s2;
	s6 =	simm.s32 $0x108;
	_ =	swait.ge @!p0 [sflag:s8], $0x0  }
0x24: {  	s3 =	sadd.s32 $0x88, s3;
	s6 =	simm.s32 @!p1 $0x1082;
	[sflag:s4] =	ssyncset.s32 $0xFFFFF086  }
0x25: {  	[simem:s6], [sflag:s4] =	dma.local [hbm:s3], $0xF7A  }
0x26: {  	[smem:$0x3F9F] =	sst s1;
	(tag) =	ssettag s2;
	_ =	strace s9  }
0x27: {  	s1 =	sld [smem:$0x3FAF]  }
0x28: {  	s2 =	sld [smem:$0x3FB0]  }
0x29: {  	s4 =	sld [smem:$0x3FB2]  }
0x2a: {  	p0 =	seq.s32 s5, $0x0;
	s5 =	sld [smem:$0x3FB3]  }
0x2b: {  	s6 =	sld [smem:$0x3FB4]  }
0x2c: {  	s7 =	sld [smem:$0x3FB5]  }
0x2d: {  	s3 =	simm.s32 $0x108;
	s8 =	sld [smem:$0x3FB6]  }
0x2e: {  	s3 =	simm.s32 @!p0 $0x1082;
	s9 =	sld [smem:$0x3FB7]  }
0x2f: {  	lr =	sadd.s32 s0, s3;
	s0 =	sld [smem:$0x3FAE]  }
0x30: {  	s3 =	sld [smem:$0x3FB1]  }
0x31: {  	[smem:$0x3FBA] =	sst s10  }
0x32: {  	s10 =	sld [smem:$0x3FB8];
	_ =	sdelay $0x3  }
0x33: {  	p0 =	seq.s32 s10, $0x1;
	s10 =	sld [smem:$0x3FBA];
	_ =	sdelay $0x3  }
0x34: {  	[smem:$0x3FBA] =	sst s10  }
0x35: {  	s10 =	sld [smem:$0x3FB9];
	_ =	sdelay $0x3  }
0x36: {  	p1 =	seq.s32 s10, $0x1;
	s10 =	sld [smem:$0x3FBA];
	_ =	sdelay $0x3  }
0x37: {  	[smem:$0x3FBA] =	sst s10  }
0x38: {  	s10 =	sld [smem:$0x3FBB]  }
0x39: {  	_ = 	snop;
	(pc) =	sbr.ind lr, $3  }
0x3a: {  	_ = 	snop  }
0x3b: {  	_ = 	snop  }
0x3c: {  	p2 =	seq.s32 s10, $0x1;
	s10 =	sld [smem:$0x3FBA]  }
0x3d: {  	_ =	shalt  }
0x3e: {  	_ =	shalt  }
0x3f: {  	_ =	shalt  }
0x40: {  	_ =	shalt  }
0x41: {  	_ =	shalt  }
0x42: {  	_ =	shalt  }
0x43: {  	_ =	shalt  }
0x44: {  	_ =	shalt  }
0x45: {  	_ =	shalt  }
0x46: {  	_ =	shalt  }
0x47: {  	_ =	shalt  }
0x48: {  	_ =	shalt  }
0x49: {  	_ =	shalt  }
0x4a: {  	_ =	shalt  }
0x4b: {  	_ =	shalt  }
0x4c: {  	_ =	shalt  }
0x4d: {  	_ =	shalt  }
0x4e: {  	_ =	shalt  }
0x4f: {  	_ =	shalt  }
0x50: {  	_ =	shalt  }
0x51: {  	_ =	shalt  }
0x52: {  	_ =	shalt  }
0x53: {  	_ =	shalt  }
0x54: {  	_ =	shalt  }
0x55: {  	_ =	shalt  }
0x56: {  	_ =	shalt  }
0x57: {  	_ =	shalt  }
0x58: {  	_ =	shalt  }
0x59: {  	_ =	shalt  }
0x5a: {  	_ =	shalt  }
0x5b: {  	_ =	shalt  }
0x5c: {  	_ =	shalt  }
0x5d: {  	_ =	shalt  }
0x5e: {  	_ =	shalt  }
0x5f: {  	_ =	shalt  }
0x60: {  	_ =	shalt  }
0x61: {  	_ =	shalt  }
0x62: {  	_ =	shalt  }
0x63: {  	_ =	shalt  }
0x64: {  	_ =	shalt  }
0x65: {  	_ =	shalt  }
0x66: {  	_ =	shalt  }
0x67: {  	_ =	shalt  }
0x68: {  	_ =	shalt  }
0x69: {  	_ =	shalt  }
0x6a: {  	_ =	shalt  }
0x6b: {  	_ =	shalt  }
0x6c: {  	_ =	shalt  }
0x6d: {  	_ =	shalt  }
0x6e: {  	_ =	shalt  }
0x6f: {  	_ =	shalt  }
0x70: {  	_ =	shalt  }
0x71: {  	_ =	shalt  }
0x72: {  	_ =	shalt  }
0x73: {  	_ =	shalt  }
0x74: {  	_ =	shalt  }
0x75: {  	_ =	shalt  }
0x76: {  	_ =	shalt  }
0x77: {  	_ =	shalt  }
0x78: {  	_ =	shalt  }
0x79: {  	_ =	shalt  }
0x7a: {  	_ =	shalt  }
0x7b: {  	_ =	shalt  }
0x7c: {  	_ =	shalt  }
0x7d: {  	_ =	shalt  }
0x7e: {  	_ =	shalt  }
0x7f: {  	_ =	shalt  }
0x80: {  	_ =	shalt  }
0x81: {  	_ =	shalt  }
0x82: {  	_ =	shalt  }
0x83: {  	_ =	shalt  }
0x84: {  	_ =	shalt  }
0x85: {  	_ =	shalt  }
0x86: {  	_ =	shalt  }
0x87: {  	_ =	shalt  }
.Lfunc_end0:
.L_simem_size_0:
called_computation_lowered:
.L_overlay_start_0:
0x88: {  	s2 =	sld [smem:$0x3FD9]  }
0x89: {  	s3 =	sld [smem:$0x3FFE];
	_ =	sdelay $0x1  }
0x8a: {  	s1 =	srdreg.scid  }
0x8b: {  	s0 =	sand.u32 $0x1, s1  }
0x8c: {  	s16 =	sshll.u32 s0, $0xA;
	s2 =	sadd.s32 s3, s2  }
0x8d: {  	s2 =	sadd.s32 s2, s16  }
0x8e: {  	[smem:$0x3FC6] =	sst s2  }
0x8f: {  	_ = 	snop  }
0x90: {  	(tm) =	ssettm $0x1  }
0x91: {  	s17 =	sld [smem:$0x3FFB];
	_ =	sdelay $0x3  }
0x92: {  	_ =	strace s17  }
0x93: {  	s2 =	sld [smem:$0x3FFC];
	_ =	sdelay $0x3  }
0x94: {  	_ =	strace s2  }
0x95: {  	s2 =	sld [smem:$0x3FFD];
	_ =	sdelay $0x3  }
0x96: {  	_ =	strace s2  }
0x97: {  	_ =	strace $0x8FFFFFFF  }
0x98: {  	s18 =	sld [smem:$0x3FDB];
	_ =	sdelay $0x1  }
0x99: {  	s19 =	simm.s32 $_scs_section_size  }
0x9a: {  	s4 =	simm.s32 $_size__tile_overlayer_lowered;
	s5 =	simm.s32 $_tile_overlayer_lowered  }
0x9b: {  	s22 =	simm.s32 $0x1BFF;
	s21 =	sshll.u32 s5, $0x1;
	s2 =	sadd.s32 s19, s18  }
0x9c: {  	s6 =	simm.s32 $0x0;
	s20 =	sshll.u32 s4, $0x1;
	s4 =	sadd.s32 s21, s2  }
0x9d: {  	[timem:s6], [sflag:s22] =	dma.local [hbm:s4], s20  }
0x9e: {  	_ =	swait.ge [sflag:s22], s20  }
0x9f: {  	s3 =	ssub.s32 $0x0, s20;
	[sflag:s22] =	ssyncset.done $0x0  }
0xa0: {  	[sflag:s22] =	ssyncadd.s32 s3;
	_ =	sdelay $0x1  }
0xa1: {  	s23 =	simm.s32 $0x1B8B  }
0xa2: {  	_ =	swait.ge [sflag:s23], $0x1  }
0xa3: {  	[sflag:s23] =	ssyncset.done $0x0  }
0xa4: {  	s25 =	simm.s32 $0x1B8E;
	s24 =	sld [smem:$0x3FFE];
	[sflag:s23] =	ssyncadd.s32 $0xFFFFFFFF  }
0xa5: {  	s26 =	simm.s32 $execute0_lowered;
	[smem:$0x3FD2] =	sst s25  }
0xa6: {  	s4 =	sshll.u32 s26, $0x1;
	_ =	strace $0x80000046;
	[dreg:$0x1] =	wrdreg $0xFFFFFFFF  }
0xa7: {  	s28 =	simm.s32 $_size_execute0_lowered;
	s2 =	sadd.s32 s2, s4;
	[dreg:$0x0] =	wrdreg $0x0  }
0xa8: {  	s4 =	sshll.u32 s28, $0x1;
	[dreg:$0x2] =	wrdreg s2  }
0xa9: {  	[dreg:$0x3] =	wrdreg s4  }
0xaa: {  	[dreg:$0x4] =	wrdreg $0xC0  }
0xab: {  	_ =	task [dreg:s6], $0x5FFFF  }
0xac: {  	[dreg:$0x1] =	wrdreg $0xFFFFFFFF  }
0xad: {  	[dreg:$0x0] =	wrdreg $0x60  }
0xae: {  	[dreg:$0x2] =	wrdreg s24  }
0xaf: {  	[dreg:$0x3] =	wrdreg $0x21000  }
0xb0: {  	[dreg:$0x4] =	wrdreg $0x21200  }
0xb1: {  	[dreg:$0x5] =	wrdreg $0x9  }
0xb2: {  	_ =	task.clear_ibuf [dreg:s6], $0x6FFFF;
	_ =	strace $0x90000046  }
0xb3: {  	s29 =	simm.s32 $0x9;
	_ =	strace $0x80000048  }
0xb4: {  	_ =	swait.ge [sflag:s29], $0x1  }
0xb5: {  	[sflag:s29] =	ssyncadd.s32 $0xFFFFFFFF  }
0xb6: {  	_ =	strace $0x90000048  }
0xb7: {  	_ =	sfence  }
0xb8: {  	s30 =	sld [smem:$0x0];
	_ =	sdelay $0x2  }
0xb9: {  	s31 =	sshll.u32 s1, $0xD;
	s1 =	sshrl.u32 s1, $0x2  }
0xba: {  	s3 =	sand.u32 $0x4000, s31;
	s1 =	sadd.s32 s1, s30  }
0xbb: {  	s0 =	sor.u32 s3, s0;
	s1 =	sshll.u32 s1, $0x11  }
0xbc: {  	s0 =	sor.u32 s1, s0  }
0xbd: {  	s0 =	sadd.s32 $0x8F2B, s0  }
0xbe: {  	[sflag:s0] =	ssyncadd.remote.s32 $0x1  }
0xbf: {  	_ =	sfence.sel $0xFFFF  }
0xc0: {  	[dreg:$0x0] =	wrdreg $0xFFFFFFFF;
	(pc) =	sbr.abs _section_cstart, $3  }
0xc1: {  	[dreg:$0x1] =	wrdreg $0xFFFFFFFF  }
0xc2: {  	_ =	task.clear_ibuf [dreg:s6], $0x2FFFF;
	_ =	strace $0x9FFFFFFF  }
0xc3: {  	(tm) =	ssettm $0x7FFFFFFF  }
tec
execute0_lowered:
.L_overlay_start_1:
0x0: {  	(tag) =	ssettag $0x1  }
0x1: {  	s0 =	srdreg.scid;
	s1 =	rddreg [dreg:$0x0]  }
0x2: {  	s14 =	stileid.u32;
	s7 =	rddreg [dreg:$0x1]  }
0x3: {  	s8 =	rddreg [dreg:$0x2];
	s15 =	simm.s32 $0x3;
	s16 =	simm.s32 $0x1A00  }
0x4: {  	s17 =	simm.s32 $0x80;
	s20 =	simm.s32 $0x2;
	s21 =	simm.s32 $0x1E00  }
0x5: {  	s23 =	simm.s32 $0x0;
	s0 =	sand.u32 $0x1, s0;
	s6 =	sshrl.u32 s14, $0x1  }
0x6: {  	s3 =	sand.u32 $0x1, s14;
	s9 =	sshll.u32 s14, $0x7;
	s26 =	sxor.u32 $0x1, s14  }
0x7: {  	s28 =	sshll.u32 s14, $0x9;
	s14 =	simm.s32 $0x2080;
	s2 =	sshll.u32 s0, $0x3  }
0x8: {  	p0 =	seq.s32 s3, $0x1;
	s3 =	simm.s32 $0x0;
	s10 =	sshll.u32 s0, $0xB  }
0x9: {  	s11 =	sand.u32 $0x400, s9;
	s13 =	ssub.s32 $0x2, s0;
	s0 =	smul.u32 $0x61A8, s0  }
0xa: {  	s9 =	sand.u32 $0x380, s9;
	s30 =	smul.u32 $0xC35, s6;
	s2 =	sor.u32 s6, s2  }
0xb: {  	s29 =	sshrl.u32 s28, $0x2;
	s4 =	smul.u32 $0xC35, s2;
	s2 =	simm.s32 $0x640  }
0xc: {  	[smem:$0x7FF] =	sst s3;
	s10 =	sor.u32 s10, s11;
	s2 =	simm.s32 @!p0 $0x0  }
0xd: {  	s25 =	sshrl.u32 s13, $0x1;
	s6 =	sadd.s32 s29, s7;
	s5 =	sadd.s32 s2, s4  }
0xe: {  	s12 =	sand.u32 $0xFFF8, s4;
	s0 =	sadd.s32 s0, s2;
	s5 =	sand.u32 $0x1FFF8, s5  }
0xf: {  	s24 =	smin.u32 s12, $0xB710;
	s0 =	sadd.s32 s30, s0;
	s5 =	smin.u32 s5, $0xBD00  }
0x10: {  	s12 =	sshrl.u32 s24, $0x3;
	s18 =	ssub.s32 s4, s24;
	s5 =	sshrl.u32 s5, $0x3  }
0x11: {  	s31 =	sand.u32 $0x1FFF8, s0;
	s12 =	sadd.s32 s12, s1;
	s5 =	sadd.s32 s5, s1  }
0x12: {  	s4 =	sadd.s32 $0x800, s5;
	s5 =	sadd.s32 $0x2200, s12;
	s12 =	smin.u32 s31, $0xBD00  }
0x13: {  	s11 =	sand.u32 $0x1000, s28;
	s10 =	sor.u32 s9, s10;
	s0 =	ssub.s32 s0, s12  }
0x14: {  	_ =	strace $0x80000047;
	s13 =	ssub.s32 s13, s25;
	s10 =	sshrl.u32 s10, $0x3;
	v5 =	vmov s0  }
0x15: {  	v0 =	vlaneseq.u32;
	s11 =	sadd.s32 s11, s8;
	s1 =	sadd.s32 s10, s1;
	s10 =	sshll.u32 s26, $0x7  }
0x16: {  	v1 =	vmul.u32 $0xFFFFFFFF, v0;
	s8 =	sadd.s32 s9, s11;
	s7 =	sadd.s32 s10, s7;
	s10 =	sand.u32 $0x380, s10  }
0x17: {  	v2 =	vimm.s32 $0x0;
	v0 =	vmov s18;
	s18 =	simm.s32 $0x400;
	s9 =	sadd.s32 s10, s11;
	s10 =	sadd.s32 $0x3C00, s1  }
0x18: {  	v3 =	vimm.s32 $0x1;
	v4 =	vimm.f32 $0.0e+00;
	v1 =	vadd.s32 $0xC35, v1;
	s11 =	smax.u32 s13, $0x1;
	s12 =	simm.s32 $0x700;
	s13 =	simm.s32 $0x1  }
.LBB2_1:
0x19: {  	[tilespmem:s3], [sflag:$0x1] =	stream.linear.gather [hbm4b:s4+s3], $0x650, $0x38;
	[tilespmem:$0x2320] =	vst v63  }
0x1a: {  	_ = 	snop  }
0x1b: {  	[tilespmem:s12], [sflag:$0x2] =	stream.linear.gather [hbm4b:s5+s3], $0xC40, $0x38;
	[tilespmem:$0x2320] =	vst v63  }
0x1c: {  	_ =	swait.ge [sflag:s13], $0x650  }
0x1d: {  	[sflag:s13] =	ssyncset.done $0x0  }
0x1e: {  	s1 =	simm.s32 $0x0;
	[sflag:s13] =	ssyncadd.s32 $0xFFFFF9B0  }
0x1f: {  	v8 =	vld.idx.msk [tilespmem:v5+s1+$0x0 ss:$0x1], $0xffff;
	_ =	sdelay $0x2  }
0x20: {  	v6 =	vimm.f32 $2.000000000e+00;
	s0 =	simm.s32 $0x40;
	v9 =	vmov s2;
	v7 =	vimm.f32 $0.0e+00;
	s1 =	smov.u32 s2  }
.LBB2_2:
0x21: {  	s24 =	sshra.s32 s0, $0x2;
	p0 =	sne.s32 s0, $0x18C0;
	s0 =	sadd.s32 $0x40, s0;
	vm0 =	vlt.u32 v9, v1  }
.Ltmp0:
0x22: {  	v9 =	vnsel vm0, $0x40000000, v8;
	v10 =	vnsel vm0, $0x0, v8;
	v8 =	vld.idx.msk [tilespmem:v5+s24+$0x0 ss:$0x1], $0xffff;
	(pc) =	sbr.rel @p0 .LBB2_2-.Ltmp0, $3  }
0x23: {  	v6 =	vmin.f32 v6, v9;
	v7 =	vmax.f32 v7, v10;
	_ =	sdelay $0x1  }
0x24: {  	s1 =	sadd.s32 $0x10, s1  }
0x25: {  	v9 =	vmov s1  }
0x26: {  	vm0 =	vlt.u32 v9, v1  }
0x27: {  	v9 =	vnsel vm0, $0x40000000, v8  }
0x28: {  	v8 =	vnsel vm0, $0x0, v8;
	v6 =	vmin.f32 v6, v9  }
0x29: {  	v7 =	vmax.f32 v7, v8;
	(xrf0) =	vmin.scan.msk.f32 $0xffff, v6  }
0x2a: {  	(xrf0) =	vmax.scan.msk.f32 $0xffff, v7;
	_ =	sdelay $0x4  }
0x2b: {  	v6, _, _ =	vpop (xrf0)  }
0x2c: {  	v6 =	vbroadcast v6, $0xF;
	v7, _, _ =	vpop (xrf0)  }
0x2d: {  	v7 =	vbroadcast v7, $0xF  }
0x2e: {  	[tilespmem:$0x2080] =	vst v6  }
0x2f: {  	[tilespmem:$0x2090] =	vst v7  }
0x30: {  	[spmem:s6] =	stream.linear.scatter [tilespmem:s14], [sflag:$0x3], $0x80, $0x38;
	[tilespmem:$0x2320] =	vst v63  }
0x31: {  	_ =	swait.ge [sflag:s15], $0x80  }
0x32: {  	[sflag:s15] =	ssyncset.done $0x0  }
0x33: {  	[sflag:s15] =	ssyncadd.s32 $0xFFFFFF80  }
0x34: {  	[tilespmem:$0x1A00] =	vst v2  }
0x35: {  	[tilespmem:$0x1A10] =	vst v2  }
0x36: {  	[tilespmem:$0x1A20] =	vst v2  }
0x37: {  	[tilespmem:$0x1A30] =	vst v2  }
0x38: {  	[tilespmem:$0x1A40] =	vst v2  }
0x39: {  	[tilespmem:$0x1A50] =	vst v2  }
0x3a: {  	[tilespmem:$0x1A60] =	vst v2  }
0x3b: {  	[tilespmem:$0x1A70] =	vst v2  }
0x3c: {  	[tilespmem:$0x1A80] =	vst v2  }
0x3d: {  	[tilespmem:$0x1A90] =	vst v2  }
0x3e: {  	[tilespmem:$0x1AA0] =	vst v2  }
0x3f: {  	[tilespmem:$0x1AB0] =	vst v2  }
0x40: {  	[tilespmem:$0x1AC0] =	vst v2  }
0x41: {  	[tilespmem:$0x1AD0] =	vst v2  }
0x42: {  	[tilespmem:$0x1AE0] =	vst v2  }
0x43: {  	[tilespmem:$0x1AF0] =	vst v2  }
0x44: {  	[tilespmem:$0x1B00] =	vst v2  }
0x45: {  	[tilespmem:$0x1B10] =	vst v2  }
0x46: {  	[tilespmem:$0x1B20] =	vst v2  }
0x47: {  	[tilespmem:$0x1B30] =	vst v2  }
0x48: {  	[tilespmem:$0x1B40] =	vst v2  }
0x49: {  	[tilespmem:$0x1B50] =	vst v2  }
0x4a: {  	[tilespmem:$0x1B60] =	vst v2  }
0x4b: {  	[tilespmem:$0x1B70] =	vst v2  }
0x4c: {  	[tilespmem:$0x1B80] =	vst v2  }
0x4d: {  	[tilespmem:$0x1B90] =	vst v2  }
0x4e: {  	[tilespmem:$0x1BA0] =	vst v2  }
0x4f: {  	[tilespmem:$0x1BB0] =	vst v2  }
0x50: {  	[tilespmem:$0x1BC0] =	vst v2  }
0x51: {  	[tilespmem:$0x1BD0] =	vst v2  }
0x52: {  	[tilespmem:$0x1BE0] =	vst v2  }
0x53: {  	[tilespmem:$0x1BF0] =	vst v2  }
0x54: {  	[bflag:$0x0] =	sbarrier.arrive $0xFFFF  }
0x55: {  	[tilespmem:s14], [sflag:$0x3] =	stream.linear.gather [spmem:s7], $0x80, $0x38;
	[tilespmem:$0x2320] =	vst v63  }
0x56: {  	_ =	swait.ge [sflag:s15], $0x80  }
0x57: {  	[sflag:s15] =	ssyncset.done $0x0  }
0x58: {  	[sflag:s15] =	ssyncadd.s32 $0xFFFFFF80  }
0x59: {  	v8 =	vld [tilespmem:$0x2080]  }
0x5a: {  	v62 =	vld [tilespmem:$0x2090];
	_ =	sdelay $0x4  }
0x5b: {  	v6 =	vmin.f32 v6, v8;
	v7 =	vmax.f32 v7, v62  }
0x5c: {  	v7 =	vsub.f32 v7, v6;
	_ =	sdelay $0x1  }
0x5d: {  	v7 =	vmax.f32 v7, $9.999999680e-21  }
0x5e: {  	(erf) = vrcp.f32 v7;
	_ =	sdelay $0x3  }
0x5f: {  	s0 =	simm.s32 $0x0  }
0x60: {  	v8 =	vld.idx.msk [tilespmem:v5+s0+$0x0 ss:$0x1], $0xffff;
	_ =	sdelay $0x3  }
0x61: {  	v7 =	vpop (erf)  }
0x62: {  	v8 =	vsub.f32 v8, v6;
	v7 =	vmul.f32 $5.120000000e+02, v7;
	_ =	sdelay $0x1  }
0x63: {  	v8 =	vmul.f32 v8, v7;
	_ =	sdelay $0x1  }
0x64: {  	v8 =	vtrunc.f32 v8  }
0x65: {  	v8 =	vcvt.f32.s32 v8;
	_ =	sdelay $0x1  }
0x66: {  	v63 =	vmov s2;
	vm0 =	vgt.s32 v8, $0x0  }
0x67: {  	v8 =	vnsel vm0, $0x0, v8;
	vm0 =	vlt.u32 v63, v1  }
0x68: {  	v8 =	vmin.u32 v8, $0x1FF;
	_ =	sdelay $0x3  }
0x69: {  	[tilespmem:s0+$0x1380] =	vst v8  }
0x6a: {  	s24 =	simm.s32 $0x10;
	s1 =	simm.s32 $0x80;
	s25 =	smov.u32 s2;
	[tilespmem:v8+s16+$0x0] =	vst.idx.add.s32.msk vm0, v3  }
.LBB2_4:
0x6b: {  	p0 =	sne.s32 s1, $0x18C0;
	v8 =	vld.idx.msk [tilespmem:v5+s24+$0x0 ss:$0x1], $0xffff;
	_ =	sdelay $0x5  }
0x6c: {  	v8 =	vsub.f32 v8, v6;
	_ =	sdelay $0x1  }
0x6d: {  	v8 =	vmul.f32 v8, v7;
	_ =	sdelay $0x1  }
0x6e: {  	v8 =	vtrunc.f32 v8  }
0x6f: {  	v8 =	vcvt.f32.s32 v8  }
0x70: {  	s25 =	sadd.s32 $0x10, s25  }
0x71: {  	v9 =	vmov s25;
	vm1 =	vgt.s32 v8, $0x0  }
0x72: {  	v8 =	vnsel vm1, $0x0, v8;
	vm1 =	vlt.u32 v9, v1  }
0x73: {  	v8 =	vmin.u32 v8, $0x1FF  }
.Ltmp1:
0x74: {  	(pc) =	sbr.rel @p0 .LBB2_4-.Ltmp1, $3  }
0x75: {  	_ =	sdelay $0x1  }
0x76: {  	[tilespmem:s24+$0x1380] =	vst v8  }
0x77: {  	s24 =	sshra.s32 s1, $0x2;
	s1 =	sadd.s32 $0x40, s1;
	[tilespmem:v8+s16+$0x0] =	vst.idx.add.s32.msk vm1, v3  }
0x78: {  	_ =	sdelay $0x3  }
0x79: {  	v8 =	vld.idx.msk [tilespmem:v5+s24+$0x0 ss:$0x1], $0xffff;
	_ =	sdelay $0x4  }
0x7a: {  	v6 =	vsub.f32 v8, v6;
	_ =	sdelay $0x1  }
0x7b: {  	v6 =	vmul.f32 v6, v7;
	_ =	sdelay $0x1  }
0x7c: {  	v6 =	vtrunc.f32 v6  }
0x7d: {  	v6 =	vcvt.f32.s32 v6  }
0x7e: {  	s0 =	sadd.s32 $0x10, s25  }
0x7f: {  	v7 =	vmov s0;
	vm1 =	vgt.s32 v6, $0x0  }
0x80: {  	v6 =	vnsel vm1, $0x0, v6;
	vm1 =	vlt.u32 v7, v1  }
0x81: {  	v6 =	vmin.u32 v6, $0x1FF;
	_ =	sdelay $0x3  }
0x82: {  	[tilespmem:s24+$0x1380] =	vst v6  }
0x83: {  	[tilespmem:v6+s16+$0x0] =	vst.idx.add.s32.msk vm1, v3  }
0x84: {  	[spmem:s8] =	stream.strided.scatter [tilespmem:s16], [sflag:$0x3], $0x200, s18, s17, $0x38;
	[tilespmem:$0x2320] =	vst v63  }
0x85: {  	_ =	swait.ge [sflag:s15], $0x200  }
0x86: {  	[sflag:s15] =	ssyncset.done $0x0  }
0x87: {  	[sflag:s15] =	ssyncadd.s32 $0xFFFFFE00  }
0x88: {  	s19 =	simm.s32 $0x1C00;
	[bflag:$0x0] =	sbarrier.arrive $0xFFFF  }
0x89: {  	[tilespmem:s19], [sflag:$0x3] =	stream.strided.gather [spmem:s9], $0x200, s18, s17, $0x38;
	[tilespmem:$0x2320] =	vst v63  }
0x8a: {  	_ =	swait.ge [sflag:s15], $0x200  }
0x8b: {  	[sflag:s15] =	ssyncset.done $0x0  }
0x8c: {  	s22 =	simm.s32 $0x0;
	[sflag:s15] =	ssyncadd.s32 $0xFFFFFE00  }
0x8d: {  	v6 =	vld [tilespmem:s22+$0x1C00]  }
0x8e: {  	v7 =	vld [tilespmem:s22+$0x1A00];
	_ =	sdelay $0x4  }
0x8f: {  	s26 =	simm.s32 $0x10;
	v6 =	vadd.s32 v7, v6  }
0x90: {  	v7 =	vld [tilespmem:s26+$0x1C00];
	[tilespmem:s22+$0x1A00] =	vst v6  }
0x91: {  	v8 =	vld [tilespmem:s26+$0x1A00];
	_ =	sdelay $0x1  }
0x92: {  	(xrf0) =	vadd.scan.msk.s32 $0xffff, v6;
	_ =	sdelay $0x2  }
0x93: {  	s25 =	simm.s32 $0x20;
	v7 =	vadd.s32 v8, v7  }
0x94: {  	v8 =	vld [tilespmem:s25+$0x1C00];
	[tilespmem:s26+$0x1A00] =	vst v7;
	(xrf0) =	vadd.scan.msk.s32 $0xffff, v7  }
0x95: {  	v6 =	vld [tilespmem:s25+$0x1A00]  }
0x96: {  	v10, _, _ =	vpop (xrf0)  }
0x97: {  	(v2sf) =	vpush v10, $0xF;
	_ =	sdelay $0x2  }
0x98: {  	v9 =	vadd.s32 v6, v8;
	v6, _, _ =	vpop (xrf0)  }
0x99: {  	(v2sf) =	vpush v6, $0xF;
	_ =	sdelay $0x1  }
0x9a: {  	s24 =	simm.s32 $0x30  }
0x9b: {  	v7 =	vld [tilespmem:s24+$0x1C00];
	[tilespmem:s25+$0x1A00] =	vst v9;
	(xrf0) =	vadd.scan.msk.s32 $0xffff, v9  }
0x9c: {  	v8 =	vld [tilespmem:s24+$0x1A00];
	_ =	sdelay $0x1  }
0x9d: {  	s30 =	simm.s32 $0x0  }
0x9e: {  	s1 =	simm.s32 $0x100;
	s31 =	simm.s32 $0x140;
	v10 =	vadd.s32 s30, v10  }
0x9f: {  	s29 =	simm.s32 $0x180;
	s28 =	simm.s32 $0x1C0;
	s0 =	simm.s32 $0x200;
	[tilespmem:s22+$0x1E00] =	vst v10  }
.LBB2_6:
0xa0: {  	p0 =	sne.s32 s0, $0x7C0;
	s19 =	sshra.s32 s1, $0x2;
	v8 =	vadd.s32 v8, v7;
	v9, _, _ =	vpop (xrf0);
	s1 =	smov.u32 s31  }
0xa1: {  	s31 =	smov.u32 s29;
	s29 =	smov.u32 s28;
	s28 =	smov.u32 s0;
	v7 =	vld [tilespmem:s19+$0x1C00];
	[tilespmem:s24+$0x1A00] =	vst v8;
	(xrf0) =	vadd.scan.msk.s32 $0xffff, v8;
	(v2sf) =	vpush v9, $0xF  }
.Ltmp2:
0xa2: {  	v8 =	vld [tilespmem:s19+$0x1A00];
	s22 =	spop (v2sf);
	(pc) =	sbr.rel @p0 .LBB2_6-.Ltmp2, $4  }
0xa3: {  	s30 =	sadd.s32 s30, s22  }
0xa4: {  	v10 =	vadd.s32 s30, v6;
	v6 =	vmov v9  }
0xa5: {  	[tilespmem:s26+$0x1E00] =	vst v10;
	s26 =	smov.u32 s25;
	s25 =	smov.u32 s24;
	s24 =	smov.u32 s19  }
0xa6: {  	s0 =	sadd.s32 $0x40, s0  }
0xa7: {  	s0 =	sshra.s32 s1, $0x2;
	v7 =	vadd.s32 v8, v7  }
0xa8: {  	v8 =	vld [tilespmem:s0+$0x1C00];
	[tilespmem:s24+$0x1A00] =	vst v7  }
0xa9: {  	v9, _, _ =	vpop (xrf0);
	v10 =	vld [tilespmem:s0+$0x1A00]  }
0xaa: {  	(v2sf) =	vpush v9, $0xF  }
0xab: {  	s22 =	spop (v2sf)  }
0xac: {  	s1 =	sadd.s32 s30, s22  }
0xad: {  	v6 =	vadd.s32 s1, v6  }
0xae: {  	s19 =	sshra.s32 s31, $0x2;
	[tilespmem:s26+$0x1E00] =	vst v6;
	v6 =	vadd.s32 v10, v8  }
0xaf: {  	v8 =	vld [tilespmem:s19+$0x1C00];
	[tilespmem:s0+$0x1A00] =	vst v6  }
0xb0: {  	v10 =	vld [tilespmem:s19+$0x1A00];
	_ =	sdelay $0x1  }
0xb1: {  	s22 =	spop (v2sf)  }
0xb2: {  	s1 =	sadd.s32 s1, s22  }
0xb3: {  	(xrf0) =	vadd.scan.msk.s32 $0xffff, v7;
	v7 =	vadd.s32 s1, v9  }
0xb4: {  	s22 =	sshra.s32 s29, $0x2;
	[tilespmem:s25+$0x1E00] =	vst v7;
	v7 =	vadd.s32 v10, v8  }
0xb5: {  	v8 =	vld [tilespmem:s22+$0x1C00];
	[tilespmem:s19+$0x1A00] =	vst v7  }
0xb6: {  	v9 =	vld [tilespmem:s22+$0x1A00];
	_ =	sdelay $0x1  }
0xb7: {  	s26 =	spop (v2sf)  }
0xb8: {  	v10, _, _ =	vpop (xrf0);
	s1 =	sadd.s32 s1, s26  }
0xb9: {  	v11 =	vadd.s32 s1, v10  }
0xba: {  	[tilespmem:s24+$0x1E00] =	vst v11;
	s24 =	sshra.s32 s28, $0x2;
	v8 =	vadd.s32 v9, v8  }
0xbb: {  	v9 =	vld [tilespmem:s24+$0x1C00];
	[tilespmem:s22+$0x1A00] =	vst v8  }
0xbc: {  	v11 =	vld [tilespmem:s24+$0x1A00]  }
0xbd: {  	(xrf0) =	vadd.scan.msk.s32 $0xffff, v6  }
0xbe: {  	(xrf0) =	vadd.scan.msk.s32 $0xffff, v7  }
0xbf: {  	(xrf0) =	vadd.scan.msk.s32 $0xffff, v8;
	_ =	sdelay $0x1  }
0xc0: {  	v6 =	vadd.s32 v11, v9  }
0xc1: {  	(v2sf) =	vpush v10, $0xF;
	(xrf0) =	vadd.scan.msk.s32 $0xffff, v6  }
0xc2: {  	v7, _, _ =	vpop (xrf0)  }
0xc3: {  	(v2sf) =	vpush v7, $0xF;
	v8, _, _ =	vpop (xrf0)  }
0xc4: {  	(v2sf) =	vpush v8, $0xF;
	v9, _, _ =	vpop (xrf0)  }
0xc5: {  	(v2sf) =	vpush v9, $0xF;
	_ =	sdelay $0x1  }
0xc6: {  	v10, _, _ =	vpop (xrf0)  }
0xc7: {  	(v2sf) =	vpush v10, $0xF;
	_ =	sdelay $0x7  }
0xc8: {  	s30 =	spop (v2sf)  }
0xc9: {  	s1 =	sadd.s32 s1, s30  }
0xca: {  	v7 =	vadd.s32 s1, v7;
	s31 =	spop (v2sf)  }
0xcb: {  	[tilespmem:s0+$0x1E00] =	vst v7;
	s1 =	sadd.s32 s1, s31;
	s25 =	spop (v2sf)  }
0xcc: {  	[tilespmem:s24+$0x1A00] =	vst v6;
	v6 =	vadd.s32 s1, v8;
	s0 =	sadd.s32 s1, s25;
	s26 =	spop (v2sf)  }
0xcd: {  	[tilespmem:s19+$0x1E00] =	vst v6;
	v6 =	vadd.s32 s0, v9;
	s0 =	sadd.s32 s0, s26  }
0xce: {  	[tilespmem:s22+$0x1E00] =	vst v6;
	v6 =	vadd.s32 s0, v10  }
0xcf: {  	[tilespmem:s24+$0x1E00] =	vst v6;
	s30 =	spop (v2sf)  }
0xd0: {  	_ =	swait.ge [sflag:s20], $0xC40  }
0xd1: {  	[sflag:s20] =	ssyncset.done $0x0  }
0xd2: {  	s0 =	simm.s32 $0x0;
	[sflag:s20] =	ssyncadd.s32 $0xFFFFF3C0  }
0xd3: {  	v6 =	vld [tilespmem:s0+$0x1380];
	_ =	sdelay $0x7  }
0xd4: {  	v7 =	vld.idx.msk [tilespmem:v6+s16+$0x0], $0xffff  }
0xd5: {  	s31 =	simm.s32 $0x10;
	v6 =	vld.idx.msk [tilespmem:v6+s21+$0x0], $0xffff  }
0xd6: {  	v8 =	vld [tilespmem:s31+$0x1380];
	_ =	sdelay $0x2  }
0xd7: {  	v9 =	vadd.s32 $0xFFFFFFFF, v7  }
0xd8: {  	v6 =	vsub.s32 v6, v7;
	v7 =	vshra.s32 v9, $0x1  }
0xd9: {  	v7 =	vadd.s32 v7, v6  }
0xda: {  	vm1 =	vgt.s32 v7, $0x0  }
0xdb: {  	v7 =	vnsel vm1, $0x0, v7  }
0xdc: {  	v10 =	vld.idx.msk [tilespmem:v8+s16+$0x0], $0xffff;
	v7 =	vmin.u32 v7, $0xC34  }
0xdd: {  	s25 =	simm.s32 $0x20;
	v8 =	vld.idx.msk [tilespmem:v8+s21+$0x0], $0xffff;
	v7 =	vadd.s32 v0, v7  }
0xde: {  	v11 =	vld [tilespmem:s25+$0x1380];
	_ =	sdelay $0x2  }
0xdf: {  	v13 =	vld.idx.msk [tilespmem:v5+s0+$0x0 ss:$0x1], $0xffff;
	v9 =	vcvt.s32.f32 v9  }
0xe0: {  	v12 =	vadd.s32 $0xFFFFFFFF, v10;
	v10 =	vsub.s32 v8, v10;
	v7 =	vld.idx.msk [tilespmem:v7+s12+$0x0], $0xffff  }
0xe1: {  	v8 =	vshra.s32 v12, $0x1;
	v6 =	vcvt.s32.f32 v6;
	v9 =	vmul.f32 $5.000000000e-01, v9  }
0xe2: {  	v8 =	vadd.s32 v8, v10  }
0xe3: {  	vm1 =	vgt.s32 v8, $0x0;
	v6 =	vadd.f32 v6, v9  }
0xe4: {  	v8 =	vnsel vm1, $0x0, v8;
	v9 =	vld.idx.msk [tilespmem:v11+s16+$0x0], $0xffff  }
0xe5: {  	s24 =	simm.s32 $0x30;
	v11 =	vld.idx.msk [tilespmem:v11+s21+$0x0], $0xffff;
	v8 =	vmin.u32 v8, $0xC34;
	v6 =	vadd.f32 $1.000000000e+00, v6;
	v15 =	vsub.f32 v13, v7  }
0xe6: {  	v14 =	vadd.s32 v0, v8;
	v13 =	vld [tilespmem:s24+$0x1380]  }
0xe7: {  	v6 =	vmul.f32 $3.199999920e-04, v6;
	vm1 =	vle.f32 v15, $0.0e+00  }
0xe8: {  	v7 =	vsel vm1, $0x3F800000, v4  }
0xe9: {  	v12 =	vcvt.s32.f32 v12;
	v8 =	vadd.s32 $0xFFFFFFFF, v9;
	v6 =	vsub.f32 v6, v7  }
0xea: {  	v16 =	vld.idx.msk [tilespmem:v5+s31+$0x0 ss:$0x1], $0xffff;
	v10 =	vcvt.s32.f32 v10;
	v7 =	vsub.s32 v11, v9;
	v9 =	vshra.s32 v8, $0x1  }
0xeb: {  	v12 =	vmul.f32 $5.000000000e-01, v12;
	v17 =	vld.idx.msk [tilespmem:v14+s12+$0x0], $0xffff;
	v11 =	vadd.s32 v9, v7;
	v18 =	vand.u32 $0x7FFFFFFF, v6  }
0xec: {  	vm1 =	vgt.s32 v11, $0x0;
	v6 =	vmul.f32 $2.500000000e+02, v18  }
0xed: {  	v12 =	vadd.f32 v10, v12;
	v19 =	vand.u32 $0x7FFFFFFF, v15;
	v11 =	vnsel vm1, $0x0, v11  }
0xee: {  	s26 =	simm.s32 $0x40;
	v21 =	vadd.f32 $-1.000000050e-03, v19;
	v10 =	vld.idx.msk [tilespmem:v13+s16+$0x0], $0xffff;
	v11 =	vmin.u32 v11, $0xC34;
	v20 =	vmul.f32 v6, v15  }
0xef: {  	v14 =	vadd.f32 $1.000000000e+00, v12;
	v12 =	vld [tilespmem:s26+$0x1380];
	v11 =	vadd.s32 v0, v11  }
0xf0: {  	v13 =	vld.idx.msk [tilespmem:v13+s21+$0x0], $0xffff;
	v6 =	vsub.f32 v16, v17;
	v16 =	vmul.f32 v18, v21;
	v15 =	vmul.f32 v20, v15  }
0xf1: {  	s29 =	simm.s32 $0x140;
	s28 =	smov.u32 s2;
	v9 =	vimm.f32 $0.0e+00;
	vm1 =	vle.f32 v19, $2.000000090e-03  }
.LBB2_8:
0xf2: {  	p0 =	sne.s32 s29, $0x18C0;
	v14 =	vmul.f32 $3.199999920e-04, v14;
	vm2 =	vle.f32 v6, $0.0e+00;
	v15 =	vsel vm1, v15, v16  }
0xf3: {  	v16 =	vadd.s32 $0xFFFFFFFF, v10;
	v17 =	vsel vm2, $0x3F800000, v4;
	v15 =	vnsel vm0, $0x0, v15  }
0xf4: {  	v19 =	vcvt.s32.f32 v8;
	v8 =	vmovc v16;
	v18 =	vld.idx.msk [tilespmem:v5+s25+$0x0 ss:$0x1], $0xffff;
	v14 =	vsub.f32 v14, v17;
	v9 =	vadd.f32 v15, v9;
	s25 =	smov.u32 s24;
	s24 =	smov.u32 s26  }
0xf5: {  	v16 =	vcvt.s32.f32 v7;
	v15 =	vshra.s32 v8, $0x1;
	v7 =	vsub.s32 v13, v10;
	v17 =	vld.idx.msk [tilespmem:v11+s12+$0x0], $0xffff  }
0xf6: {  	v13 =	vmul.f32 $5.000000000e-01, v19;
	v11 =	vadd.s32 v15, v7;
	v19 =	vand.u32 $0x7FFFFFFF, v14  }
0xf7: {  	vm0 =	vgt.s32 v11, $0x0;
	v14 =	vmul.f32 $2.500000000e+02, v19  }
.Ltmp3:
0xf8: {  	v20 =	vand.u32 $0x7FFFFFFF, v6;
	v15 =	vadd.f32 v16, v13;
	v11 =	vnsel vm0, $0x0, v11;
	v10 =	vld.idx.msk [tilespmem:v12+s16+$0x0], $0xffff;
	(pc) =	sbr.rel @p0 .LBB2_8-.Ltmp3, $4  }
0xf9: {  	s28 =	sadd.s32 $0x10, s28;
	v21 =	vadd.f32 $-1.000000050e-03, v20;
	v11 =	vmin.u32 v11, $0xC34;
	v16 =	vmul.f32 v14, v6  }
0xfa: {  	v22 =	vmov s28;
	s26 =	sshra.s32 s29, $0x2;
	v11 =	vadd.s32 v0, v11;
	v14 =	vadd.f32 $1.000000000e+00, v15;
	v13 =	vld.idx.msk [tilespmem:v12+s21+$0x0], $0xffff  }
0xfb: {  	v12 =	vld [tilespmem:s26+$0x1380];
	v15 =	vmul.f32 v16, v6;
	v6 =	vsub.f32 v18, v17;
	v16 =	vmul.f32 v19, v21  }
0xfc: {  	vm1 =	vle.f32 v20, $2.000000090e-03;
	s29 =	sadd.s32 $0x40, s29;
	vm0 =	vlt.u32 v22, v1  }
0xfd: {  	_ =	sdelay $0x6  }
0xfe: {  	v14 =	vmul.f32 $3.199999920e-04, v14;
	v17 =	vld.idx.msk [tilespmem:v12+s16+$0x0], $0xffff  }
0xff: {  	vm2 =	vle.f32 v6, $0.0e+00;
	v15 =	vsel vm1, v15, v16;
	v31 =	vadd.s32 $0xFFFFFFFF, v10;
	v32 =	vld.idx.msk [tilespmem:v12+s21+$0x0], $0xffff  }
0x100: {  	v8 =	vcvt.s32.f32 v8;
	v7 =	vcvt.s32.f32 v7;
	v38 =	vand.u32 $0x7FFFFFFF, v6  }
0x101: {  	s0 =	sadd.s32 $0x10, s28;
	v18 =	vsel vm2, $0x3F800000, v4;
	v15 =	vnsel vm0, $0x0, v15;
	v34 =	vshra.s32 v31, $0x1  }
0x102: {  	v20 =	vadd.f32 $-1.000000050e-03, v38;
	v40 =	vmov s0;
	v33 =	vsub.s32 v13, v10  }
0x103: {  	v16 =	vcvt.s32.f32 v31;
	v13 =	vadd.s32 v34, v33;
	v36 =	vadd.s32 $0xFFFFFFFF, v17  }
0x104: {  	vm15 =	vgt.s32 v13, $0x0;
	v12 =	vsub.s32 v32, v17;
	v37 =	vshra.s32 v36, $0x1  }
0x105: {  	v35 =	vld.idx.msk [tilespmem:v5+s25+$0x0 ss:$0x1], $0xffff;
	vm6 =	vle.f32 v38, $2.000000090e-03;
	v13 =	vnsel vm15, $0x0, v13;
	v17 =	vadd.s32 v37, v12  }
0x106: {  	v11 =	vld.idx.msk [tilespmem:v11+s12+$0x0], $0xffff;
	v14 =	vsub.f32 v14, v18;
	v13 =	vmin.u32 v13, $0xC34;
	vm4 =	vgt.s32 v17, $0x0  }
0x107: {  	v9 =	vadd.f32 v15, v9;
	v13 =	vadd.s32 v0, v13;
	v17 =	vnsel vm4, $0x0, v17  }
0x108: {  	s0 =	sadd.s32 $0x10, s0;
	v8 =	vmul.f32 $5.000000000e-01, v8;
	vm7 =	vlt.u32 v40, v1;
	v17 =	vmin.u32 v17, $0xC34  }
0x109: {  	v51 =	vmov s0;
	v10 =	vcvt.s32.f32 v33;
	v39 =	vadd.s32 v0, v17  }
0x10a: {  	s0 =	sadd.s32 $0x10, s0;
	v16 =	vmul.f32 $5.000000000e-01, v16;
	vm11 =	vlt.u32 v51, v1;
	v7 =	vadd.f32 v7, v8  }
0x10b: {  	v41 =	vld.idx.msk [tilespmem:v5+s24+$0x0 ss:$0x1], $0xffff;
	v58 =	vmov s0;
	v14 =	vand.u32 $0x7FFFFFFF, v14;
	v11 =	vsub.f32 v35, v11  }
0x10c: {  	v19 =	vmul.f32 $2.500000000e+02, v14;
	v10 =	vadd.f32 v10, v16;
	v7 =	vadd.f32 $1.000000000e+00, v7;
	v13 =	vld.idx.msk [tilespmem:v13+s12+$0x0], $0xffff  }
0x10d: {  	v43 =	vld.idx.msk [tilespmem:v5+s26+$0x0 ss:$0x1], $0xffff;
	v14 =	vmul.f32 v14, v20;
	vm5 =	vle.f32 v11, $0.0e+00;
	v18 =	vcvt.s32.f32 v36  }
0x10e: {  	v10 =	vadd.f32 $1.000000000e+00, v10;
	v47 =	vand.u32 $0x7FFFFFFF, v11;
	v7 =	vmul.f32 $3.199999920e-04, v7;
	v44 =	vld.idx.msk [tilespmem:v39+s12+$0x0], $0xffff  }
0x10f: {  	v42 =	vsel vm5, $0x3F800000, v4;
	v12 =	vcvt.s32.f32 v12;
	v45 =	vmul.f32 $5.000000000e-01, v18  }
0x110: {  	v19 =	vmul.f32 v19, v6;
	v50 =	vadd.f32 $-1.000000050e-03, v47;
	v7 =	vsub.f32 v7, v42  }
0x111: {  	vm10 =	vle.f32 v47, $2.000000090e-03;
	v12 =	vadd.f32 v12, v45;
	v13 =	vsub.f32 v41, v13  }
0x112: {  	v6 =	vmul.f32 v19, v6;
	v10 =	vmul.f32 $3.199999920e-04, v10;
	v7 =	vand.u32 $0x7FFFFFFF, v7  }
0x113: {  	v12 =	vadd.f32 $1.000000000e+00, v12;
	vm8 =	vle.f32 v13, $0.0e+00;
	v8 =	vsub.f32 v43, v44  }
0x114: {  	v6 =	vsel vm6, v6, v14;
	v46 =	vmul.f32 $2.500000000e+02, v7;
	v49 =	vsel vm8, $0x3F800000, v4  }
0x115: {  	v12 =	vmul.f32 $3.199999920e-04, v12;
	v10 =	vsub.f32 v10, v49;
	vm9 =	vle.f32 v8, $0.0e+00  }
0x116: {  	v6 =	vnsel vm7, $0x0, v6;
	v48 =	vmul.f32 v46, v11;
	v52 =	vsel vm9, $0x3F800000, v4  }
0x117: {  	v7 =	vmul.f32 v7, v50;
	v10 =	vand.u32 $0x7FFFFFFF, v10;
	v12 =	vsub.f32 v12, v52  }
0x118: {  	v11 =	vmul.f32 v48, v11;
	v54 =	vand.u32 $0x7FFFFFFF, v13;
	v53 =	vmul.f32 $2.500000000e+02, v10  }
0x119: {  	v6 =	vadd.f32 v6, v9;
	v56 =	vadd.f32 $-1.000000050e-03, v54;
	v12 =	vand.u32 $0x7FFFFFFF, v12  }
0x11a: {  	v7 =	vsel vm10, v11, v7;
	v55 =	vmul.f32 v53, v13;
	v57 =	vmul.f32 $2.500000000e+02, v12  }
0x11b: {  	v7 =	vnsel vm11, $0x0, v7;
	v10 =	vmul.f32 v10, v56;
	v59 =	vand.u32 $0x7FFFFFFF, v8  }
0x11c: {  	v61 =	vadd.f32 $-1.000000050e-03, v59;
	v11 =	vmul.f32 v55, v13;
	v60 =	vmul.f32 v57, v8  }
0x11d: {  	vm13 =	vlt.u32 v58, v1;
	vm12 =	vle.f32 v54, $2.000000090e-03;
	v6 =	vadd.f32 v7, v6  }
0x11e: {  	s0 =	sadd.s32 $0x10, s0;
	v7 =	vsel vm12, v11, v10;
	v62 =	vmul.f32 v12, v61;
	v8 =	vmul.f32 v60, v8  }
0x11f: {  	v63 =	vmov s0;
	vm14 =	vle.f32 v59, $2.000000090e-03;
	v7 =	vnsel vm13, $0x0, v7  }
0x120: {  	vm15 =	vlt.u32 v63, v1;
	v6 =	vadd.f32 v7, v6;
	v7 =	vsel vm14, v8, v62  }
0x121: {  	v7 =	vnsel vm15, $0x0, v7  }
0x122: {  	s23 =	sadd.s32 $0x1, s23;
	v6 =	vadd.f32 v7, v6  }
0x123: {  	p0 =	sne.s32 s23, s11  }
.Ltmp4:
0x124: {  	s31 =	simm.s32 $0x2000;
	[tilespmem:$0x2000] =	vst v6;
	(pc) =	sbr.rel @p0 .LBB2_1-.Ltmp4, $4  }
0x125: {  	[hbm4b:s10+s3] =	stream.linear.scatter [tilespmem:s31], [sflag:$0x3], $0x80, $0x38;
	[tilespmem:$0x2320] =	vst v63  }
0x126: {  	_ =	swait.ge [sflag:s15], $0x80  }
0x127: {  	[sflag:s15] =	ssyncset.done $0x0  }
0x128: {  	[sflag:s15] =	ssyncadd.s32 $0xFFFFFF80  }
0x129: {  	_ =	sfence.sel $0x180000  }
0x12a: {  	[bflag:$0x0] =	sbarrier.arrive $0xFFFF  }
0x12b: {  	_ =	strace $0x90000047  }
0x12c: {  	s0 =	stileid.u32;
	[bflag:$0x2] =	sbarrier.arrive $0xFFFF  }
0x12d: {  	p0 =	sne.s32 s0, $0x0;
	s0 =	rddreg [dreg:$0x3]  }
0x12e: {  	s0 =	sadd.s32 @!p0 $0x100000, s0  }
0x12f: {  	[sflag:s0] =	ssyncadd.tile.s32 @!p0 $0x1;
	_ =	shalt  }
.Lfunc_end2:
_tile_overlayer_lowered:
.L_overlay_start_2:
0x130: {  	(tag) =	ssettag $0x2  }
0x131: {  	s0 =	rddreg [dreg:$0x0];
	s2 =	stileid.u32  }
0x132: {  	s1 =	rddreg [dreg:$0x1];
	p0 =	sne.s32 s2, $0x0  }
0x133: {  	s3 =	rddreg [dreg:$0x2];
	[bflag:$0x3] =	sbarrier.arrive $0xFFFF;
	s2 =	simm.s32 @!p0 $0x1C03  }
0x134: {  	[timem:s3], [sflag:s2] =	dma.local @!p0 [hbm:s0], s1  }
0x135: {  	s0 =	simm.s32 @!p0 $0x3  }
0x136: {  	_ =	swait.ge @!p0 [sflag:s0], s1  }
0x137: {  	s1 =	ssub.s32 @!p0 $0x0, s1;
	[sflag:s0] =	ssyncset.done @!p0 $0x0  }
0x138: {  	[sflag:s0] =	ssyncadd.s32 @!p0 s1  }
0x139: {  	[bflag:$0x3] =	sbarrier.arrive $0xFFFF  }
0x13a: {  	_ =	shalt  }

</sc_bundles>
